<compile_context>
chip_gen: v7x
topology: tpu7x:2x2x1
jax: 0.10.2.dev20260603
libtpu: 0.0.44.dev20260713+nightly
codegen_flags: <defaults>
</compile_context>

<pallas_src>
import jax
import jax.numpy as jnp
from jax import lax
from jax.experimental import pallas as pl
from jax.experimental.pallas import tpu as pltpu, tpu_sc as plsc

_A = 50000
_TA = _A // 8
_CPLANE = 12800000

_ABLK = 1024
_NBLK = 38
_A_TC = _ABLK * _NBLK
_A_SC = _A - _A_TC

_INFO = plsc.get_sparse_core_info()
_NC = _INFO.num_cores
_NS = _INFO.num_subcores
_NW = _NC * _NS

_CHUNK = 344
_NV = 22
_PAD = _NV * 16
_MAIN_A = _CHUNK * _NW
_TAIL_A = _A_SC - _MAIN_A
_NVT = _TAIL_A // 16


def _start_offsets(a_vec, koff):
    return (a_vec >> 3) * 2048 + (a_vec & 7) * 128 + koff


def _sc_body(w_hbm, idx_hbm, out_hbm, idx_v, widx_v, buf_v, widx_t, buf_t, sem):
    c_ = lax.axis_index("c")
    s_ = lax.axis_index("s")
    wid = s_ * _NC + c_

    pltpu.sync_copy(idx_hbm, idx_v)
    k0 = idx_v[...][0]
    koff = (k0 >> 7) * 1024 + (k0 & 127)
    lanes = lax.iota(jnp.int32, 16)
    off0 = _start_offsets(_A_TC + wid * _CHUNK + lanes, koff)

    gathers = []
    for cc in range(3):
        def build(m, off, cc=cc):
            widx_v[pl.ds(cc * _PAD + m * 16, 16)] = off
            return off + 4096

        lax.fori_loop(0, _NV, build, off0 + cc * _CPLANE)
        gathers.append(pltpu.async_copy(
            w_hbm.at[widx_v.at[pl.ds(cc * _PAD, _PAD)]],
            buf_v.at[pl.ds(cc * _PAD, _PAD)], sem))

    a0 = wid * _CHUNK
    for cc in range(3):
        gathers[cc].wait()
        pltpu.sync_copy(buf_v.at[pl.ds(cc * _PAD, _CHUNK)],
                        out_hbm.at[pl.ds(cc * _A_SC + a0, _CHUNK)])

    @pl.when(wid == 0)
    def _():
        off0t = _start_offsets(_A_TC + _MAIN_A + lanes, koff)
        tails = []
        for cc in range(3):
            def buildt(m, off, cc=cc):
                widx_t[pl.ds(cc * _TAIL_A + m * 16, 16)] = off
                return off + 4096

            lax.fori_loop(0, _NVT, buildt, off0t + cc * _CPLANE)
            tails.append(pltpu.async_copy(
                w_hbm.at[widx_t.at[pl.ds(cc * _TAIL_A, _TAIL_A)]],
                buf_t.at[pl.ds(cc * _TAIL_A, _TAIL_A)], sem))
        for cc in range(3):
            tails[cc].wait()
            pltpu.sync_copy(buf_t.at[pl.ds(cc * _TAIL_A, _TAIL_A)],
                            out_hbm.at[pl.ds(cc * _A_SC + _MAIN_A, _TAIL_A)])


_sc_fetch = pl.kernel(
    _sc_body,
    out_type=jax.ShapeDtypeStruct((3 * _A_SC,), jnp.float32),
    mesh=plsc.VectorSubcoreMesh(core_axis_name="c", subcore_axis_name="s"),
    scratch_types=[
        pltpu.VMEM((16,), jnp.int32),
        pltpu.VMEM((3 * _PAD,), jnp.int32),
        pltpu.VMEM((3 * _PAD,), jnp.float32),
        pltpu.VMEM((3 * _TAIL_A,), jnp.int32),
        pltpu.VMEM((3 * _TAIL_A,), jnp.float32),
        pltpu.SemaphoreType.DMA,
    ],
)


def _tc_body(s_ref, x_ref, o_ref):
    k1 = s_ref[0] % 128
    onehot = (lax.broadcasted_iota(jnp.int32, (128, 8), 0) == k1).astype(
        jnp.float32)
    x = x_ref[...].reshape(3 * _ABLK, 128)
    y = jax.lax.dot_general(x, onehot, (((1,), (0,)), ((), ())),
                            preferred_element_type=jnp.float32)
    o_ref[...] = y.reshape(3, _ABLK, 8)


def _tc_fetch(tv, conf_arr):
    grid_spec = pltpu.PrefetchScalarGridSpec(
        num_scalar_prefetch=1,
        grid=(_NBLK,),
        in_specs=[pl.BlockSpec((3, _ABLK, 128),
                               lambda i, s: (0, i, s[0] // 128))],
        out_specs=pl.BlockSpec((3, _ABLK, 8), lambda i, s: (0, i, 0)),
    )
    return pl.pallas_call(
        _tc_body,
        grid_spec=grid_spec,
        out_shape=jax.ShapeDtypeStruct((3, _A_TC, 8), jnp.float32),
    )(conf_arr, tv)


@jax.jit
def kernel(conformational_space, conformation):
    conf = jnp.asarray(conformation, dtype=jnp.int32)
    tv = conformational_space.transpose(2, 1, 0)
    w = (tv.reshape(3, _TA, 8, 2, 128)
         .transpose(0, 1, 3, 2, 4)
         .reshape(-1))
    idx = jnp.full((16,), conf, dtype=jnp.int32)
    o_sc = _sc_fetch(w, idx)
    o_tc = _tc_fetch(tv, conf.reshape(1))[:, :, 0]
    o = jnp.concatenate([o_tc, o_sc.reshape(3, _A_SC)], axis=1)
    return o.transpose(1, 0)

# --- scband reference (transcript-rebuilt; emitter-appended) ---
"""Pipeline reference for scband-discrete-structural-ensemble-26310969655552 (READ-ONLY COPY).

The authoritative reference and input builder live on the scoring server;
editing this copy changes nothing except your own understanding.
"""

import jax, jax.numpy as jnp
import numpy as np

NUM_CONFORMATIONS = 256
N_ATOMS = 50000


def setup_inputs(seed: int = 0) -> dict:
    key = jax.random.key(seed)
    k1, _ = jax.random.split(key)
    # The tuple of AbstractStructureRepresentation atom-position arrays is
    # materialized as a single stacked table [K, n_atoms, 3].
    conformational_space = jax.random.normal(
        k1, (NUM_CONFORMATIONS, N_ATOMS, 3), dtype=jnp.float32
    )
    conformation = 37  # scalar discrete conformation index, 0 <= i < K
    return {"conformational_space": conformational_space, "conformation": conformation}


def reference(conformational_space, conformation):
    # DiscreteStructuralEnsemble.map_to_structure:
    #   structure = jax.lax.switch(conformation, [lambda: space[i] for i in range(K)])
    # Selecting branch i of a switch whose branches each return slice i of the
    # stacked table is exactly a dynamic row gather (embedding lookup).
    idx = jnp.asarray(conformation, dtype=jnp.int32)
    structure = jnp.take(conformational_space, idx, axis=0)
    return structure

if __name__ == "__main__":
    import jax
    _d = setup_inputs()
    print(jax.jit(kernel)(*tuple(_d.values())))

</pallas_src>

<mosaic_0001>
#map = affine_map<(d0, d1) -> (0)>
module attributes {stable_mosaic.version = 14 : i64} {
  func.func @_sc_body(%arg0: i32, %arg1: i32, %arg2: memref<38400000xf32, #tpu.memory_space<hbm>>, %arg3: memref<16xi32, #tpu.memory_space<hbm>>, %arg4: memref<33264xf32, #tpu.memory_space<hbm>>, %arg5: memref<16xi32, #tpu.memory_space<vmem>>, %arg6: memref<1056xi32, #tpu.memory_space<vmem>>, %arg7: memref<1056xf32, #tpu.memory_space<vmem>>, %arg8: memref<240xi32, #tpu.memory_space<vmem>>, %arg9: memref<240xf32, #tpu.memory_space<vmem>>, %arg10: memref<!tpu.dma_semaphore, #tpu.memory_space<semaphore_mem>>) attributes {dimension_semantics = [#tpu.dimension_semantics<core_parallel>, #tpu.dimension_semantics<subcore_parallel>], iteration_bounds = array<i64: 2, 16>, scalar_prefetch = 0 : i64, scratch_operands = 6 : i64, tpu.core_type = #tpu.core_type<sc_vector_subcore>, window_params = [{transform_indices = #map}, {transform_indices = #map}, {transform_indices = #map}]} {
    %mul3A = arith.constant 2 : i32
    %mul3A_0 = arith.muli %arg1, %mul3A : i32
    %add3A = arith.addi %mul3A_0, %arg0 : i32
    "tpu.region"() ({
      %run_scoped3A = tpu.sem_alloc : memref<!tpu.dma_semaphore, #tpu.memory_space<semaphore_mem>>
      tpu.enqueue_dma source(%arg3 : memref<16xi32, #tpu.memory_space<hbm>>) target(%arg5 : memref<16xi32, #tpu.memory_space<vmem>>) target_semaphore(%run_scoped3A : memref<!tpu.dma_semaphore, #tpu.memory_space<semaphore_mem>>)
      tpu.wait_dma2 semaphore(%run_scoped3A : memref<!tpu.dma_semaphore, #tpu.memory_space<semaphore_mem>>) src(%arg3 : memref<16xi32, #tpu.memory_space<hbm>>) dst(%arg5 : memref<16xi32, #tpu.memory_space<vmem>>)
      tpu.yield
    }) : () -> ()
    %get3A = arith.constant 0 : index
    %get3A_1 = tpu.vector_load %arg5[%get3A] {strides = array<i32>} : memref<16xi32, #tpu.memory_space<vmem>>, vector<16xi32>,
    %get3A_2 = vector.shape_cast %get3A_1 : vector<16xi32> to vector<16xi32>
    %slice3A = vector.extract_strided_slice %get3A_2 {offsets = [0], sizes = [1], strides = [1]} : vector<16xi32> to vector<1xi32>
    %squeeze3A = vector.extract %slice3A[0] : i32 from vector<1xi32>
    %shift_right_arithmetic3A = arith.constant 7 : i32
    %shift_right_arithmetic3A_3 = arith.shrsi %squeeze3A, %shift_right_arithmetic3A : i32
    %mul3A_4 = arith.constant 1024 : i32
    %mul3A_5 = arith.muli %shift_right_arithmetic3A_3, %mul3A_4 : i32
    %and3A = arith.constant 127 : i32
    %and3A_6 = arith.andi %squeeze3A, %and3A : i32
    %add3A_7 = arith.addi %mul3A_5, %and3A_6 : i32
    %iota3A = tpu.iota {dimensions = array<i32: 0>} : vector<16xi32>
    %mul3A_8 = arith.constant 344 : i32
    %mul3A_9 = arith.muli %add3A, %mul3A_8 : i32
    %add3A_10 = arith.constant 38912 : i32
    %add3A_11 = arith.addi %add3A_10, %mul3A_9 : i32
    %add3A_12 = vector.broadcast %add3A_11 : i32 to vector<16xi32>
    %add3A_13 = arith.addi %add3A_12, %iota3A : vector<16xi32>
    %shift_right_arithmetic3A_14 = arith.constant 3 : i32
    %shift_right_arithmetic3A_15 = vector.broadcast %shift_right_arithmetic3A_14 : i32 to vector<16xi32>
    %shift_right_arithmetic3A_16 = arith.shrsi %add3A_13, %shift_right_arithmetic3A_15 : vector<16xi32>
    %mul3A_17 = arith.constant 2048 : i32
    %mul3A_18 = vector.broadcast %mul3A_17 : i32 to vector<16xi32>
    %mul3A_19 = arith.muli %shift_right_arithmetic3A_16, %mul3A_18 : vector<16xi32>
    %and3A_20 = arith.constant 7 : i32
    %and3A_21 = vector.broadcast %and3A_20 : i32 to vector<16xi32>
    %and3A_22 = arith.andi %add3A_13, %and3A_21 : vector<16xi32>
    %mul3A_23 = arith.constant 128 : i32
    %mul3A_24 = vector.broadcast %mul3A_23 : i32 to vector<16xi32>
    %mul3A_25 = arith.muli %and3A_22, %mul3A_24 : vector<16xi32>
    %add3A_26 = arith.addi %mul3A_19, %mul3A_25 : vector<16xi32>
    %add3A_27 = vector.broadcast %add3A_7 : i32 to vector<16xi32>
    %add3A_28 = arith.addi %add3A_26, %add3A_27 : vector<16xi32>
    %add3A_29 = arith.constant 0 : i32
    %add3A_30 = vector.broadcast %add3A_29 : i32 to vector<16xi32>
    %add3A_31 = arith.addi %add3A_28, %add3A_30 : vector<16xi32>
    %scan3A = arith.constant 0 : i32
    %scan3A_32 = arith.constant 22 : i32
    %scan3A_33 = arith.addi %scan3A, %scan3A_32 : i32
    %scan3A_34 = arith.constant 1 : i32
    %scan3A_35 = scf.for %scan3A_99 = %scan3A to %scan3A_33 step %scan3A_34 iter_args(%scan3A_100 = %add3A_31) -> (vector<16xi32>)  : i32 {
      %mul3A_101 = arith.constant 16 : i32
      %mul3A_102 = arith.muli %scan3A_99, %mul3A_101 : i32
      %add3A_103 = arith.constant 0 : i32
      %add3A_104 = arith.addi %add3A_103, %mul3A_102 : i32
      %swap3A = arith.index_cast %add3A_104 : i32 to index
      %swap3A_105 = tpu.vector_load %arg6[%swap3A] {strides = array<i32>} : memref<1056xi32, #tpu.memory_space<vmem>>, vector<16xi32>,
      %swap3A_106 = vector.shape_cast %swap3A_105 : vector<16xi32> to vector<16xi32>
      %swap3A_107 = vector.shape_cast %scan3A_100 : vector<16xi32> to vector<16xi32>
      tpu.vector_store %arg6[%swap3A], %swap3A_107 {strides = array<i32>} : memref<1056xi32, #tpu.memory_space<vmem>>, vector<16xi32>,
      %add3A_108 = arith.constant 4096 : i32
      %add3A_109 = vector.broadcast %add3A_108 : i32 to vector<16xi32>
      %add3A_110 = arith.addi %scan3A_100, %add3A_109 : vector<16xi32>
      scf.yield %add3A_110 : vector<16xi32>
    }
    %scan3A_36 = arith.constant 22 : i32
    %dma_start3A = arith.constant 0 : i32
    %dma_start3A_37 = tpu.memref_slice %arg7[%dma_start3A] : memref<1056xf32, #tpu.memory_space<vmem>> -> memref<352xf32, #tpu.memory_space<vmem>>
    %dma_start3A_38 = arith.constant 0 : i32
    %dma_start3A_39 = tpu.memref_slice %arg6[%dma_start3A_38] : memref<1056xi32, #tpu.memory_space<vmem>> -> memref<352xi32, #tpu.memory_space<vmem>>
    %dma_start3A_40 = arith.constant 0 : i32
    %dma_start3A_41 = tpu.memref_slice %arg2[%dma_start3A_40] : memref<38400000xf32, #tpu.memory_space<hbm>> -> memref<38400000xf32, #tpu.memory_space<hbm>>
    tpu.enqueue_indirect_dma source(%dma_start3A_41 : memref<38400000xf32, #tpu.memory_space<hbm>>) target(%dma_start3A_37 : memref<352xf32, #tpu.memory_space<vmem>>) offsets(%dma_start3A_39 : memref<352xi32, #tpu.memory_space<vmem>>) semaphore(%arg10 : memref<!tpu.dma_semaphore, #tpu.memory_space<semaphore_mem>>)
    %add3A_42 = arith.constant 12800000 : i32
    %add3A_43 = vector.broadcast %add3A_42 : i32 to vector<16xi32>
    %add3A_44 = arith.addi %add3A_28, %add3A_43 : vector<16xi32>
    %scan3A_45 = arith.constant 0 : i32
    %scan3A_46 = arith.constant 22 : i32
    %scan3A_47 = arith.addi %scan3A_45, %scan3A_46 : i32
    %scan3A_48 = arith.constant 1 : i32
    %scan3A_49 = scf.for %scan3A_99 = %scan3A_45 to %scan3A_47 step %scan3A_48 iter_args(%scan3A_100 = %add3A_44) -> (vector<16xi32>)  : i32 {
      %mul3A_101 = arith.constant 16 : i32
      %mul3A_102 = arith.muli %scan3A_99, %mul3A_101 : i32
      %add3A_103 = arith.constant 352 : i32
      %add3A_104 = arith.addi %add3A_103, %mul3A_102 : i32
      %swap3A = arith.index_cast %add3A_104 : i32 to index
      %swap3A_105 = tpu.vector_load %arg6[%swap3A] {strides = array<i32>} : memref<1056xi32, #tpu.memory_space<vmem>>, vector<16xi32>,
      %swap3A_106 = vector.shape_cast %swap3A_105 : vector<16xi32> to vector<16xi32>
      %swap3A_107 = vector.shape_cast %scan3A_100 : vector<16xi32> to vector<16xi32>
      tpu.vector_store %arg6[%swap3A], %swap3A_107 {strides = array<i32>} : memref<1056xi32, #tpu.memory_space<vmem>>, vector<16xi32>,
      %add3A_108 = arith.constant 4096 : i32
      %add3A_109 = vector.broadcast %add3A_108 : i32 to vector<16xi32>
      %add3A_110 = arith.addi %scan3A_100, %add3A_109 : vector<16xi32>
      scf.yield %add3A_110 : vector<16xi32>
    }
    %scan3A_50 = arith.constant 22 : i32
    %dma_start3A_51 = arith.constant 352 : i32
    %dma_start3A_52 = tpu.memref_slice %arg7[%dma_start3A_51] : memref<1056xf32, #tpu.memory_space<vmem>> -> memref<352xf32, #tpu.memory_space<vmem>>
    %dma_start3A_53 = arith.constant 352 : i32
    %dma_start3A_54 = tpu.memref_slice %arg6[%dma_start3A_53] : memref<1056xi32, #tpu.memory_space<vmem>> -> memref<352xi32, #tpu.memory_space<vmem>>
    %dma_start3A_55 = arith.constant 0 : i32
    %dma_start3A_56 = tpu.memref_slice %arg2[%dma_start3A_55] : memref<38400000xf32, #tpu.memory_space<hbm>> -> memref<38400000xf32, #tpu.memory_space<hbm>>
    tpu.enqueue_indirect_dma source(%dma_start3A_56 : memref<38400000xf32, #tpu.memory_space<hbm>>) target(%dma_start3A_52 : memref<352xf32, #tpu.memory_space<vmem>>) offsets(%dma_start3A_54 : memref<352xi32, #tpu.memory_space<vmem>>) semaphore(%arg10 : memref<!tpu.dma_semaphore, #tpu.memory_space<semaphore_mem>>)
    %add3A_57 = arith.constant 25600000 : i32
    %add3A_58 = vector.broadcast %add3A_57 : i32 to vector<16xi32>
    %add3A_59 = arith.addi %add3A_28, %add3A_58 : vector<16xi32>
    %scan3A_60 = arith.constant 0 : i32
    %scan3A_61 = arith.constant 22 : i32
    %scan3A_62 = arith.addi %scan3A_60, %scan3A_61 : i32
    %scan3A_63 = arith.constant 1 : i32
    %scan3A_64 = scf.for %scan3A_99 = %scan3A_60 to %scan3A_62 step %scan3A_63 iter_args(%scan3A_100 = %add3A_59) -> (vector<16xi32>)  : i32 {
      %mul3A_101 = arith.constant 16 : i32
      %mul3A_102 = arith.muli %scan3A_99, %mul3A_101 : i32
      %add3A_103 = arith.constant 704 : i32
      %add3A_104 = arith.addi %add3A_103, %mul3A_102 : i32
      %swap3A = arith.index_cast %add3A_104 : i32 to index
      %swap3A_105 = tpu.vector_load %arg6[%swap3A] {strides = array<i32>} : memref<1056xi32, #tpu.memory_space<vmem>>, vector<16xi32>,
      %swap3A_106 = vector.shape_cast %swap3A_105 : vector<16xi32> to vector<16xi32>
      %swap3A_107 = vector.shape_cast %scan3A_100 : vector<16xi32> to vector<16xi32>
      tpu.vector_store %arg6[%swap3A], %swap3A_107 {strides = array<i32>} : memref<1056xi32, #tpu.memory_space<vmem>>, vector<16xi32>,
      %add3A_108 = arith.constant 4096 : i32
      %add3A_109 = vector.broadcast %add3A_108 : i32 to vector<16xi32>
      %add3A_110 = arith.addi %scan3A_100, %add3A_109 : vector<16xi32>
      scf.yield %add3A_110 : vector<16xi32>
    }
    %scan3A_65 = arith.constant 22 : i32
    %dma_start3A_66 = arith.constant 704 : i32
    %dma_start3A_67 = tpu.memref_slice %arg7[%dma_start3A_66] : memref<1056xf32, #tpu.memory_space<vmem>> -> memref<352xf32, #tpu.memory_space<vmem>>
    %dma_start3A_68 = arith.constant 704 : i32
    %dma_start3A_69 = tpu.memref_slice %arg6[%dma_start3A_68] : memref<1056xi32, #tpu.memory_space<vmem>> -> memref<352xi32, #tpu.memory_space<vmem>>
    %dma_start3A_70 = arith.constant 0 : i32
    %dma_start3A_71 = tpu.memref_slice %arg2[%dma_start3A_70] : memref<38400000xf32, #tpu.memory_space<hbm>> -> memref<38400000xf32, #tpu.memory_space<hbm>>
    tpu.enqueue_indirect_dma source(%dma_start3A_71 : memref<38400000xf32, #tpu.memory_space<hbm>>) target(%dma_start3A_67 : memref<352xf32, #tpu.memory_space<vmem>>) offsets(%dma_start3A_69 : memref<352xi32, #tpu.memory_space<vmem>>) semaphore(%arg10 : memref<!tpu.dma_semaphore, #tpu.memory_space<semaphore_mem>>)
    %mul3A_72 = arith.constant 344 : i32
    %mul3A_73 = arith.muli %add3A, %mul3A_72 : i32
    %dma_wait3A = arith.constant 0 : i32
    %dma_wait3A_74 = tpu.memref_slice %arg7[%dma_wait3A] : memref<1056xf32, #tpu.memory_space<vmem>> -> memref<352xf32, #tpu.memory_space<vmem>>
    %dma_wait3A_75 = arith.constant 0 : i32
    %dma_wait3A_76 = tpu.memref_slice %arg6[%dma_wait3A_75] : memref<1056xi32, #tpu.memory_space<vmem>> -> memref<352xi32, #tpu.memory_space<vmem>>
    %dma_wait3A_77 = arith.constant 0 : i32
    %dma_wait3A_78 = tpu.memref_slice %arg2[%dma_wait3A_77] : memref<38400000xf32, #tpu.memory_space<hbm>> -> memref<38400000xf32, #tpu.memory_space<hbm>>
    tpu.wait_indirect_dma semaphore(%arg10 : memref<!tpu.dma_semaphore, #tpu.memory_space<semaphore_mem>>) src(%dma_wait3A_78 : memref<38400000xf32, #tpu.memory_space<hbm>>) dst(%dma_wait3A_74 : memref<352xf32, #tpu.memory_space<vmem>>)
    %add3A_79 = arith.constant 0 : i32
    %add3A_80 = arith.addi %add3A_79, %mul3A_73 : i32
    "tpu.region"() ({
      %run_scoped3A = tpu.sem_alloc : memref<!tpu.dma_semaphore, #tpu.memory_space<semaphore_mem>>
      %dma_start3A_99 = arith.constant 0 : i32
      %dma_start3A_100 = tpu.memref_slice %arg7[%dma_start3A_99] : memref<1056xf32, #tpu.memory_space<vmem>> -> memref<344xf32, #tpu.memory_space<vmem>>
      %dma_start3A_101 = tpu.memref_slice %arg4[%add3A_80] : memref<33264xf32, #tpu.memory_space<hbm>> -> memref<344xf32, #tpu.memory_space<hbm>>
      %dma_start3A_102 = tpu.memref_slice %arg4[%add3A_80] : memref<33264xf32, #tpu.memory_space<hbm>> -> memref<344xf32, #tpu.memory_space<hbm>>
      %dma_start3A_103 = arith.constant 0 : i32
      %dma_start3A_104 = tpu.memref_slice %arg7[%dma_start3A_103] : memref<1056xf32, #tpu.memory_space<vmem>> -> memref<344xf32, #tpu.memory_space<vmem>>
      tpu.enqueue_dma source(%dma_start3A_104 : memref<344xf32, #tpu.memory_space<vmem>>) target(%dma_start3A_102 : memref<344xf32, #tpu.memory_space<hbm>>) target_semaphore(%run_scoped3A : memref<!tpu.dma_semaphore, #tpu.memory_space<semaphore_mem>>)
      %dma_wait3A_105 = arith.constant 0 : i32
      %dma_wait3A_106 = tpu.memref_slice %arg7[%dma_wait3A_105] : memref<1056xf32, #tpu.memory_space<vmem>> -> memref<344xf32, #tpu.memory_space<vmem>>
      %dma_wait3A_107 = tpu.memref_slice %arg4[%add3A_80] : memref<33264xf32, #tpu.memory_space<hbm>> -> memref<344xf32, #tpu.memory_space<hbm>>
      %dma_wait3A_108 = tpu.memref_slice %arg4[%add3A_80] : memref<33264xf32, #tpu.memory_space<hbm>> -> memref<344xf32, #tpu.memory_space<hbm>>
      %dma_wait3A_109 = arith.constant 0 : i32
      %dma_wait3A_110 = tpu.memref_slice %arg7[%dma_wait3A_109] : memref<1056xf32, #tpu.memory_space<vmem>> -> memref<344xf32, #tpu.memory_space<vmem>>
      tpu.wait_dma2 semaphore(%run_scoped3A : memref<!tpu.dma_semaphore, #tpu.memory_space<semaphore_mem>>) src(%dma_wait3A_110 : memref<344xf32, #tpu.memory_space<vmem>>) dst(%dma_wait3A_108 : memref<344xf32, #tpu.memory_space<hbm>>)
      tpu.yield
    }) : () -> ()
    %dma_wait3A_81 = arith.constant 352 : i32
    %dma_wait3A_82 = tpu.memref_slice %arg7[%dma_wait3A_81] : memref<1056xf32, #tpu.memory_space<vmem>> -> memref<352xf32, #tpu.memory_space<vmem>>
    %dma_wait3A_83 = arith.constant 352 : i32
    %dma_wait3A_84 = tpu.memref_slice %arg6[%dma_wait3A_83] : memref<1056xi32, #tpu.memory_space<vmem>> -> memref<352xi32, #tpu.memory_space<vmem>>
    %dma_wait3A_85 = arith.constant 0 : i32
    %dma_wait3A_86 = tpu.memref_slice %arg2[%dma_wait3A_85] : memref<38400000xf32, #tpu.memory_space<hbm>> -> memref<38400000xf32, #tpu.memory_space<hbm>>
    tpu.wait_indirect_dma semaphore(%arg10 : memref<!tpu.dma_semaphore, #tpu.memory_space<semaphore_mem>>) src(%dma_wait3A_86 : memref<38400000xf32, #tpu.memory_space<hbm>>) dst(%dma_wait3A_82 : memref<352xf32, #tpu.memory_space<vmem>>)
    %add3A_87 = arith.constant 11088 : i32
    %add3A_88 = arith.addi %add3A_87, %mul3A_73 : i32
    "tpu.region"() ({
      %run_scoped3A = tpu.sem_alloc : memref<!tpu.dma_semaphore, #tpu.memory_space<semaphore_mem>>
      %dma_start3A_99 = arith.constant 352 : i32
      %dma_start3A_100 = tpu.memref_slice %arg7[%dma_start3A_99] : memref<1056xf32, #tpu.memory_space<vmem>> -> memref<344xf32, #tpu.memory_space<vmem>>
      %dma_start3A_101 = tpu.memref_slice %arg4[%add3A_88] : memref<33264xf32, #tpu.memory_space<hbm>> -> memref<344xf32, #tpu.memory_space<hbm>>
      %dma_start3A_102 = tpu.memref_slice %arg4[%add3A_88] : memref<33264xf32, #tpu.memory_space<hbm>> -> memref<344xf32, #tpu.memory_space<hbm>>
      %dma_start3A_103 = arith.constant 352 : i32
      %dma_start3A_104 = tpu.memref_slice %arg7[%dma_start3A_103] : memref<1056xf32, #tpu.memory_space<vmem>> -> memref<344xf32, #tpu.memory_space<vmem>>
      tpu.enqueue_dma source(%dma_start3A_104 : memref<344xf32, #tpu.memory_space<vmem>>) target(%dma_start3A_102 : memref<344xf32, #tpu.memory_space<hbm>>) target_semaphore(%run_scoped3A : memref<!tpu.dma_semaphore, #tpu.memory_space<semaphore_mem>>)
      %dma_wait3A_105 = arith.constant 352 : i32
      %dma_wait3A_106 = tpu.memref_slice %arg7[%dma_wait3A_105] : memref<1056xf32, #tpu.memory_space<vmem>> -> memref<344xf32, #tpu.memory_space<vmem>>
      %dma_wait3A_107 = tpu.memref_slice %arg4[%add3A_88] : memref<33264xf32, #tpu.memory_space<hbm>> -> memref<344xf32, #tpu.memory_space<hbm>>
      %dma_wait3A_108 = tpu.memref_slice %arg4[%add3A_88] : memref<33264xf32, #tpu.memory_space<hbm>> -> memref<344xf32, #tpu.memory_space<hbm>>
      %dma_wait3A_109 = arith.constant 352 : i32
      %dma_wait3A_110 = tpu.memref_slice %arg7[%dma_wait3A_109] : memref<1056xf32, #tpu.memory_space<vmem>> -> memref<344xf32, #tpu.memory_space<vmem>>
      tpu.wait_dma2 semaphore(%run_scoped3A : memref<!tpu.dma_semaphore, #tpu.memory_space<semaphore_mem>>) src(%dma_wait3A_110 : memref<344xf32, #tpu.memory_space<vmem>>) dst(%dma_wait3A_108 : memref<344xf32, #tpu.memory_space<hbm>>)
      tpu.yield
    }) : () -> ()
    %dma_wait3A_89 = arith.constant 704 : i32
    %dma_wait3A_90 = tpu.memref_slice %arg7[%dma_wait3A_89] : memref<1056xf32, #tpu.memory_space<vmem>> -> memref<352xf32, #tpu.memory_space<vmem>>
    %dma_wait3A_91 = arith.constant 704 : i32
    %dma_wait3A_92 = tpu.memref_slice %arg6[%dma_wait3A_91] : memref<1056xi32, #tpu.memory_space<vmem>> -> memref<352xi32, #tpu.memory_space<vmem>>
    %dma_wait3A_93 = arith.constant 0 : i32
    %dma_wait3A_94 = tpu.memref_slice %arg2[%dma_wait3A_93] : memref<38400000xf32, #tpu.memory_space<hbm>> -> memref<38400000xf32, #tpu.memory_space<hbm>>
    tpu.wait_indirect_dma semaphore(%arg10 : memref<!tpu.dma_semaphore, #tpu.memory_space<semaphore_mem>>) src(%dma_wait3A_94 : memref<38400000xf32, #tpu.memory_space<hbm>>) dst(%dma_wait3A_90 : memref<352xf32, #tpu.memory_space<vmem>>)
    %add3A_95 = arith.constant 22176 : i32
    %add3A_96 = arith.addi %add3A_95, %mul3A_73 : i32
    "tpu.region"() ({
      %run_scoped3A = tpu.sem_alloc : memref<!tpu.dma_semaphore, #tpu.memory_space<semaphore_mem>>
      %dma_start3A_99 = arith.constant 704 : i32
      %dma_start3A_100 = tpu.memref_slice %arg7[%dma_start3A_99] : memref<1056xf32, #tpu.memory_space<vmem>> -> memref<344xf32, #tpu.memory_space<vmem>>
      %dma_start3A_101 = tpu.memref_slice %arg4[%add3A_96] : memref<33264xf32, #tpu.memory_space<hbm>> -> memref<344xf32, #tpu.memory_space<hbm>>
      %dma_start3A_102 = tpu.memref_slice %arg4[%add3A_96] : memref<33264xf32, #tpu.memory_space<hbm>> -> memref<344xf32, #tpu.memory_space<hbm>>
      %dma_start3A_103 = arith.constant 704 : i32
      %dma_start3A_104 = tpu.memref_slice %arg7[%dma_start3A_103] : memref<1056xf32, #tpu.memory_space<vmem>> -> memref<344xf32, #tpu.memory_space<vmem>>
      tpu.enqueue_dma source(%dma_start3A_104 : memref<344xf32, #tpu.memory_space<vmem>>) target(%dma_start3A_102 : memref<344xf32, #tpu.memory_space<hbm>>) target_semaphore(%run_scoped3A : memref<!tpu.dma_semaphore, #tpu.memory_space<semaphore_mem>>)
      %dma_wait3A_105 = arith.constant 704 : i32
      %dma_wait3A_106 = tpu.memref_slice %arg7[%dma_wait3A_105] : memref<1056xf32, #tpu.memory_space<vmem>> -> memref<344xf32, #tpu.memory_space<vmem>>
      %dma_wait3A_107 = tpu.memref_slice %arg4[%add3A_96] : memref<33264xf32, #tpu.memory_space<hbm>> -> memref<344xf32, #tpu.memory_space<hbm>>
      %dma_wait3A_108 = tpu.memref_slice %arg4[%add3A_96] : memref<33264xf32, #tpu.memory_space<hbm>> -> memref<344xf32, #tpu.memory_space<hbm>>
      %dma_wait3A_109 = arith.constant 704 : i32
      %dma_wait3A_110 = tpu.memref_slice %arg7[%dma_wait3A_109] : memref<1056xf32, #tpu.memory_space<vmem>> -> memref<344xf32, #tpu.memory_space<vmem>>
      tpu.wait_dma2 semaphore(%run_scoped3A : memref<!tpu.dma_semaphore, #tpu.memory_space<semaphore_mem>>) src(%dma_wait3A_110 : memref<344xf32, #tpu.memory_space<vmem>>) dst(%dma_wait3A_108 : memref<344xf32, #tpu.memory_space<hbm>>)
      tpu.yield
    }) : () -> ()
    %eq3A = arith.constant 0 : i32
    %eq3A_97 = arith.cmpi eq, %add3A, %eq3A : i32
    %convert_element_type3A = arith.extui %eq3A_97 : i1 to i32
    %cond3A = arith.constant 0 : i32
    %cond3A_98 = arith.cmpi ne, %convert_element_type3A, %cond3A : i32
    scf.if %cond3A_98 {
      %add3A_99 = arith.constant 49920 : i32
      %add3A_100 = vector.broadcast %add3A_99 : i32 to vector<16xi32>
      %add3A_101 = arith.addi %add3A_100, %iota3A : vector<16xi32>
      %shift_right_arithmetic3A_102 = arith.constant 3 : i32
      %shift_right_arithmetic3A_103 = vector.broadcast %shift_right_arithmetic3A_102 : i32 to vector<16xi32>
      %shift_right_arithmetic3A_104 = arith.shrsi %add3A_101, %shift_right_arithmetic3A_103 : vector<16xi32>
      %mul3A_105 = arith.constant 2048 : i32
      %mul3A_106 = vector.broadcast %mul3A_105 : i32 to vector<16xi32>
      %mul3A_107 = arith.muli %shift_right_arithmetic3A_104, %mul3A_106 : vector<16xi32>
      %and3A_108 = arith.constant 7 : i32
      %and3A_109 = vector.broadcast %and3A_108 : i32 to vector<16xi32>
      %and3A_110 = arith.andi %add3A_101, %and3A_109 : vector<16xi32>
      %mul3A_111 = arith.constant 128 : i32
      %mul3A_112 = vector.broadcast %mul3A_111 : i32 to vector<16xi32>
      %mul3A_113 = arith.muli %and3A_110, %mul3A_112 : vector<16xi32>
      %add3A_114 = arith.addi %mul3A_107, %mul3A_113 : vector<16xi32>
      %add3A_115 = vector.broadcast %add3A_7 : i32 to vector<16xi32>
      %add3A_116 = arith.addi %add3A_114, %add3A_115 : vector<16xi32>
      %add3A_117 = arith.constant 0 : i32
      %add3A_118 = vector.broadcast %add3A_117 : i32 to vector<16xi32>
      %add3A_119 = arith.addi %add3A_116, %add3A_118 : vector<16xi32>
      %scan3A_120 = arith.constant 0 : i32
      %scan3A_121 = arith.constant 5 : i32
      %scan3A_122 = arith.addi %scan3A_120, %scan3A_121 : i32
      %scan3A_123 = arith.constant 1 : i32
      %scan3A_124 = scf.for %scan3A_180 = %scan3A_120 to %scan3A_122 step %scan3A_123 iter_args(%scan3A_181 = %add3A_119) -> (vector<16xi32>)  : i32 {
        %mul3A_182 = arith.constant 16 : i32
        %mul3A_183 = arith.muli %scan3A_180, %mul3A_182 : i32
        %add3A_184 = arith.constant 0 : i32
        %add3A_185 = arith.addi %add3A_184, %mul3A_183 : i32
        %swap3A = arith.index_cast %add3A_185 : i32 to index
        %swap3A_186 = tpu.vector_load %arg8[%swap3A] {strides = array<i32>} : memref<240xi32, #tpu.memory_space<vmem>>, vector<16xi32>,
        %swap3A_187 = vector.shape_cast %swap3A_186 : vector<16xi32> to vector<16xi32>
        %swap3A_188 = vector.shape_cast %scan3A_181 : vector<16xi32> to vector<16xi32>
        tpu.vector_store %arg8[%swap3A], %swap3A_188 {strides = array<i32>} : memref<240xi32, #tpu.memory_space<vmem>>, vector<16xi32>,
        %add3A_189 = arith.constant 4096 : i32
        %add3A_190 = vector.broadcast %add3A_189 : i32 to vector<16xi32>
        %add3A_191 = arith.addi %scan3A_181, %add3A_190 : vector<16xi32>
        scf.yield %add3A_191 : vector<16xi32>
      }
      %scan3A_125 = arith.constant 5 : i32
      %dma_start3A_126 = arith.constant 0 : i32
      %dma_start3A_127 = tpu.memref_slice %arg9[%dma_start3A_126] : memref<240xf32, #tpu.memory_space<vmem>> -> memref<80xf32, #tpu.memory_space<vmem>>
      %dma_start3A_128 = arith.constant 0 : i32
      %dma_start3A_129 = tpu.memref_slice %arg8[%dma_start3A_128] : memref<240xi32, #tpu.memory_space<vmem>> -> memref<80xi32, #tpu.memory_space<vmem>>
      %dma_start3A_130 = arith.constant 0 : i32
      %dma_start3A_131 = tpu.memref_slice %arg2[%dma_start3A_130] : memref<38400000xf32, #tpu.memory_space<hbm>> -> memref<38400000xf32, #tpu.memory_space<hbm>>
      tpu.enqueue_indirect_dma source(%dma_start3A_131 : memref<38400000xf32, #tpu.memory_space<hbm>>) target(%dma_start3A_127 : memref<80xf32, #tpu.memory_space<vmem>>) offsets(%dma_start3A_129 : memref<80xi32, #tpu.memory_space<vmem>>) semaphore(%arg10 : memref<!tpu.dma_semaphore, #tpu.memory_space<semaphore_mem>>)
      %add3A_132 = arith.constant 12800000 : i32
      %add3A_133 = vector.broadcast %add3A_132 : i32 to vector<16xi32>
      %add3A_134 = arith.addi %add3A_116, %add3A_133 : vector<16xi32>
      %scan3A_135 = arith.constant 0 : i32
      %scan3A_136 = arith.constant 5 : i32
      %scan3A_137 = arith.addi %scan3A_135, %scan3A_136 : i32
      %scan3A_138 = arith.constant 1 : i32
      %scan3A_139 = scf.for %scan3A_180 = %scan3A_135 to %scan3A_137 step %scan3A_138 iter_args(%scan3A_181 = %add3A_134) -> (vector<16xi32>)  : i32 {
        %mul3A_182 = arith.constant 16 : i32
        %mul3A_183 = arith.muli %scan3A_180, %mul3A_182 : i32
        %add3A_184 = arith.constant 80 : i32
        %add3A_185 = arith.addi %add3A_184, %mul3A_183 : i32
        %swap3A = arith.index_cast %add3A_185 : i32 to index
        %swap3A_186 = tpu.vector_load %arg8[%swap3A] {strides = array<i32>} : memref<240xi32, #tpu.memory_space<vmem>>, vector<16xi32>,
        %swap3A_187 = vector.shape_cast %swap3A_186 : vector<16xi32> to vector<16xi32>
        %swap3A_188 = vector.shape_cast %scan3A_181 : vector<16xi32> to vector<16xi32>
        tpu.vector_store %arg8[%swap3A], %swap3A_188 {strides = array<i32>} : memref<240xi32, #tpu.memory_space<vmem>>, vector<16xi32>,
        %add3A_189 = arith.constant 4096 : i32
        %add3A_190 = vector.broadcast %add3A_189 : i32 to vector<16xi32>
        %add3A_191 = arith.addi %scan3A_181, %add3A_190 : vector<16xi32>
        scf.yield %add3A_191 : vector<16xi32>
      }
      %scan3A_140 = arith.constant 5 : i32
      %dma_start3A_141 = arith.constant 80 : i32
      %dma_start3A_142 = tpu.memref_slice %arg9[%dma_start3A_141] : memref<240xf32, #tpu.memory_space<vmem>> -> memref<80xf32, #tpu.memory_space<vmem>>
      %dma_start3A_143 = arith.constant 80 : i32
      %dma_start3A_144 = tpu.memref_slice %arg8[%dma_start3A_143] : memref<240xi32, #tpu.memory_space<vmem>> -> memref<80xi32, #tpu.memory_space<vmem>>
      %dma_start3A_145 = arith.constant 0 : i32
      %dma_start3A_146 = tpu.memref_slice %arg2[%dma_start3A_145] : memref<38400000xf32, #tpu.memory_space<hbm>> -> memref<38400000xf32, #tpu.memory_space<hbm>>
      tpu.enqueue_indirect_dma source(%dma_start3A_146 : memref<38400000xf32, #tpu.memory_space<hbm>>) target(%dma_start3A_142 : memref<80xf32, #tpu.memory_space<vmem>>) offsets(%dma_start3A_144 : memref<80xi32, #tpu.memory_space<vmem>>) semaphore(%arg10 : memref<!tpu.dma_semaphore, #tpu.memory_space<semaphore_mem>>)
      %add3A_147 = arith.constant 25600000 : i32
      %add3A_148 = vector.broadcast %add3A_147 : i32 to vector<16xi32>
      %add3A_149 = arith.addi %add3A_116, %add3A_148 : vector<16xi32>
      %scan3A_150 = arith.constant 0 : i32
      %scan3A_151 = arith.constant 5 : i32
      %scan3A_152 = arith.addi %scan3A_150, %scan3A_151 : i32
      %scan3A_153 = arith.constant 1 : i32
      %scan3A_154 = scf.for %scan3A_180 = %scan3A_150 to %scan3A_152 step %scan3A_153 iter_args(%scan3A_181 = %add3A_149) -> (vector<16xi32>)  : i32 {
        %mul3A_182 = arith.constant 16 : i32
        %mul3A_183 = arith.muli %scan3A_180, %mul3A_182 : i32
        %add3A_184 = arith.constant 160 : i32
        %add3A_185 = arith.addi %add3A_184, %mul3A_183 : i32
        %swap3A = arith.index_cast %add3A_185 : i32 to index
        %swap3A_186 = tpu.vector_load %arg8[%swap3A] {strides = array<i32>} : memref<240xi32, #tpu.memory_space<vmem>>, vector<16xi32>,
        %swap3A_187 = vector.shape_cast %swap3A_186 : vector<16xi32> to vector<16xi32>
        %swap3A_188 = vector.shape_cast %scan3A_181 : vector<16xi32> to vector<16xi32>
        tpu.vector_store %arg8[%swap3A], %swap3A_188 {strides = array<i32>} : memref<240xi32, #tpu.memory_space<vmem>>, vector<16xi32>,
        %add3A_189 = arith.constant 4096 : i32
        %add3A_190 = vector.broadcast %add3A_189 : i32 to vector<16xi32>
        %add3A_191 = arith.addi %scan3A_181, %add3A_190 : vector<16xi32>
        scf.yield %add3A_191 : vector<16xi32>
      }
      %scan3A_155 = arith.constant 5 : i32
      %dma_start3A_156 = arith.constant 160 : i32
      %dma_start3A_157 = tpu.memref_slice %arg9[%dma_start3A_156] : memref<240xf32, #tpu.memory_space<vmem>> -> memref<80xf32, #tpu.memory_space<vmem>>
      %dma_start3A_158 = arith.constant 160 : i32
      %dma_start3A_159 = tpu.memref_slice %arg8[%dma_start3A_158] : memref<240xi32, #tpu.memory_space<vmem>> -> memref<80xi32, #tpu.memory_space<vmem>>
      %dma_start3A_160 = arith.constant 0 : i32
      %dma_start3A_161 = tpu.memref_slice %arg2[%dma_start3A_160] : memref<38400000xf32, #tpu.memory_space<hbm>> -> memref<38400000xf32, #tpu.memory_space<hbm>>
      tpu.enqueue_indirect_dma source(%dma_start3A_161 : memref<38400000xf32, #tpu.memory_space<hbm>>) target(%dma_start3A_157 : memref<80xf32, #tpu.memory_space<vmem>>) offsets(%dma_start3A_159 : memref<80xi32, #tpu.memory_space<vmem>>) semaphore(%arg10 : memref<!tpu.dma_semaphore, #tpu.memory_space<semaphore_mem>>)
      %dma_wait3A_162 = arith.constant 0 : i32
      %dma_wait3A_163 = tpu.memref_slice %arg9[%dma_wait3A_162] : memref<240xf32, #tpu.memory_space<vmem>> -> memref<80xf32, #tpu.memory_space<vmem>>
      %dma_wait3A_164 = arith.constant 0 : i32
      %dma_wait3A_165 = tpu.memref_slice %arg8[%dma_wait3A_164] : memref<240xi32, #tpu.memory_space<vmem>> -> memref<80xi32, #tpu.memory_space<vmem>>
      %dma_wait3A_166 = arith.constant 0 : i32
      %dma_wait3A_167 = tpu.memref_slice %arg2[%dma_wait3A_166] : memref<38400000xf32, #tpu.memory_space<hbm>> -> memref<38400000xf32, #tpu.memory_space<hbm>>
      tpu.wait_indirect_dma semaphore(%arg10 : memref<!tpu.dma_semaphore, #tpu.memory_space<semaphore_mem>>) src(%dma_wait3A_167 : memref<38400000xf32, #tpu.memory_space<hbm>>) dst(%dma_wait3A_163 : memref<80xf32, #tpu.memory_space<vmem>>)
      "tpu.region"() ({
        %run_scoped3A = tpu.sem_alloc : memref<!tpu.dma_semaphore, #tpu.memory_space<semaphore_mem>>
        %dma_start3A_180 = arith.constant 0 : i32
        %dma_start3A_181 = tpu.memref_slice %arg9[%dma_start3A_180] : memref<240xf32, #tpu.memory_space<vmem>> -> memref<80xf32, #tpu.memory_space<vmem>>
        %dma_start3A_182 = arith.constant 11008 : i32
        %dma_start3A_183 = tpu.memref_slice %arg4[%dma_start3A_182] : memref<33264xf32, #tpu.memory_space<hbm>> -> memref<80xf32, #tpu.memory_space<hbm>>
        %dma_start3A_184 = arith.constant 11008 : i32
        %dma_start3A_185 = tpu.memref_slice %arg4[%dma_start3A_184] : memref<33264xf32, #tpu.memory_space<hbm>> -> memref<80xf32, #tpu.memory_space<hbm>>
        %dma_start3A_186 = arith.constant 0 : i32
        %dma_start3A_187 = tpu.memref_slice %arg9[%dma_start3A_186] : memref<240xf32, #tpu.memory_space<vmem>> -> memref<80xf32, #tpu.memory_space<vmem>>
        tpu.enqueue_dma source(%dma_start3A_187 : memref<80xf32, #tpu.memory_space<vmem>>) target(%dma_start3A_185 : memref<80xf32, #tpu.memory_space<hbm>>) target_semaphore(%run_scoped3A : memref<!tpu.dma_semaphore, #tpu.memory_space<semaphore_mem>>)
        %dma_wait3A_188 = arith.constant 0 : i32
        %dma_wait3A_189 = tpu.memref_slice %arg9[%dma_wait3A_188] : memref<240xf32, #tpu.memory_space<vmem>> -> memref<80xf32, #tpu.memory_space<vmem>>
        %dma_wait3A_190 = arith.constant 11008 : i32
        %dma_wait3A_191 = tpu.memref_slice %arg4[%dma_wait3A_190] : memref<33264xf32, #tpu.memory_space<hbm>> -> memref<80xf32, #tpu.memory_space<hbm>>
        %dma_wait3A_192 = arith.constant 11008 : i32
        %dma_wait3A_193 = tpu.memref_slice %arg4[%dma_wait3A_192] : memref<33264xf32, #tpu.memory_space<hbm>> -> memref<80xf32, #tpu.memory_space<hbm>>
        %dma_wait3A_194 = arith.constant 0 : i32
        %dma_wait3A_195 = tpu.memref_slice %arg9[%dma_wait3A_194] : memref<240xf32, #tpu.memory_space<vmem>> -> memref<80xf32, #tpu.memory_space<vmem>>
        tpu.wait_dma2 semaphore(%run_scoped3A : memref<!tpu.dma_semaphore, #tpu.memory_space<semaphore_mem>>) src(%dma_wait3A_195 : memref<80xf32, #tpu.memory_space<vmem>>) dst(%dma_wait3A_193 : memref<80xf32, #tpu.memory_space<hbm>>)
        tpu.yield
      }) : () -> ()
      %dma_wait3A_168 = arith.constant 80 : i32
      %dma_wait3A_169 = tpu.memref_slice %arg9[%dma_wait3A_168] : memref<240xf32, #tpu.memory_space<vmem>> -> memref<80xf32, #tpu.memory_space<vmem>>
      %dma_wait3A_170 = arith.constant 80 : i32
      %dma_wait3A_171 = tpu.memref_slice %arg8[%dma_wait3A_170] : memref<240xi32, #tpu.memory_space<vmem>> -> memref<80xi32, #tpu.memory_space<vmem>>
      %dma_wait3A_172 = arith.constant 0 : i32
      %dma_wait3A_173 = tpu.memref_slice %arg2[%dma_wait3A_172] : memref<38400000xf32, #tpu.memory_space<hbm>> -> memref<38400000xf32, #tpu.memory_space<hbm>>
      tpu.wait_indirect_dma semaphore(%arg10 : memref<!tpu.dma_semaphore, #tpu.memory_space<semaphore_mem>>) src(%dma_wait3A_173 : memref<38400000xf32, #tpu.memory_space<hbm>>) dst(%dma_wait3A_169 : memref<80xf32, #tpu.memory_space<vmem>>)
      "tpu.region"() ({
        %run_scoped3A = tpu.sem_alloc : memref<!tpu.dma_semaphore, #tpu.memory_space<semaphore_mem>>
        %dma_start3A_180 = arith.constant 80 : i32
        %dma_start3A_181 = tpu.memref_slice %arg9[%dma_start3A_180] : memref<240xf32, #tpu.memory_space<vmem>> -> memref<80xf32, #tpu.memory_space<vmem>>
        %dma_start3A_182 = arith.constant 22096 : i32
        %dma_start3A_183 = tpu.memref_slice %arg4[%dma_start3A_182] : memref<33264xf32, #tpu.memory_space<hbm>> -> memref<80xf32, #tpu.memory_space<hbm>>
        %dma_start3A_184 = arith.constant 22096 : i32
        %dma_start3A_185 = tpu.memref_slice %arg4[%dma_start3A_184] : memref<33264xf32, #tpu.memory_space<hbm>> -> memref<80xf32, #tpu.memory_space<hbm>>
        %dma_start3A_186 = arith.constant 80 : i32
        %dma_start3A_187 = tpu.memref_slice %arg9[%dma_start3A_186] : memref<240xf32, #tpu.memory_space<vmem>> -> memref<80xf32, #tpu.memory_space<vmem>>
        tpu.enqueue_dma source(%dma_start3A_187 : memref<80xf32, #tpu.memory_space<vmem>>) target(%dma_start3A_185 : memref<80xf32, #tpu.memory_space<hbm>>) target_semaphore(%run_scoped3A : memref<!tpu.dma_semaphore, #tpu.memory_space<semaphore_mem>>)
        %dma_wait3A_188 = arith.constant 80 : i32
        %dma_wait3A_189 = tpu.memref_slice %arg9[%dma_wait3A_188] : memref<240xf32, #tpu.memory_space<vmem>> -> memref<80xf32, #tpu.memory_space<vmem>>
        %dma_wait3A_190 = arith.constant 22096 : i32
        %dma_wait3A_191 = tpu.memref_slice %arg4[%dma_wait3A_190] : memref<33264xf32, #tpu.memory_space<hbm>> -> memref<80xf32, #tpu.memory_space<hbm>>
        %dma_wait3A_192 = arith.constant 22096 : i32
        %dma_wait3A_193 = tpu.memref_slice %arg4[%dma_wait3A_192] : memref<33264xf32, #tpu.memory_space<hbm>> -> memref<80xf32, #tpu.memory_space<hbm>>
        %dma_wait3A_194 = arith.constant 80 : i32
        %dma_wait3A_195 = tpu.memref_slice %arg9[%dma_wait3A_194] : memref<240xf32, #tpu.memory_space<vmem>> -> memref<80xf32, #tpu.memory_space<vmem>>
        tpu.wait_dma2 semaphore(%run_scoped3A : memref<!tpu.dma_semaphore, #tpu.memory_space<semaphore_mem>>) src(%dma_wait3A_195 : memref<80xf32, #tpu.memory_space<vmem>>) dst(%dma_wait3A_193 : memref<80xf32, #tpu.memory_space<hbm>>)
        tpu.yield
      }) : () -> ()
      %dma_wait3A_174 = arith.constant 160 : i32
      %dma_wait3A_175 = tpu.memref_slice %arg9[%dma_wait3A_174] : memref<240xf32, #tpu.memory_space<vmem>> -> memref<80xf32, #tpu.memory_space<vmem>>
      %dma_wait3A_176 = arith.constant 160 : i32
      %dma_wait3A_177 = tpu.memref_slice %arg8[%dma_wait3A_176] : memref<240xi32, #tpu.memory_space<vmem>> -> memref<80xi32, #tpu.memory_space<vmem>>
      %dma_wait3A_178 = arith.constant 0 : i32
      %dma_wait3A_179 = tpu.memref_slice %arg2[%dma_wait3A_178] : memref<38400000xf32, #tpu.memory_space<hbm>> -> memref<38400000xf32, #tpu.memory_space<hbm>>
      tpu.wait_indirect_dma semaphore(%arg10 : memref<!tpu.dma_semaphore, #tpu.memory_space<semaphore_mem>>) src(%dma_wait3A_179 : memref<38400000xf32, #tpu.memory_space<hbm>>) dst(%dma_wait3A_175 : memref<80xf32, #tpu.memory_space<vmem>>)
      "tpu.region"() ({
        %run_scoped3A = tpu.sem_alloc : memref<!tpu.dma_semaphore, #tpu.memory_space<semaphore_mem>>
        %dma_start3A_180 = arith.constant 160 : i32
        %dma_start3A_181 = tpu.memref_slice %arg9[%dma_start3A_180] : memref<240xf32, #tpu.memory_space<vmem>> -> memref<80xf32, #tpu.memory_space<vmem>>
        %dma_start3A_182 = arith.constant 33184 : i32
        %dma_start3A_183 = tpu.memref_slice %arg4[%dma_start3A_182] : memref<33264xf32, #tpu.memory_space<hbm>> -> memref<80xf32, #tpu.memory_space<hbm>>
        %dma_start3A_184 = arith.constant 33184 : i32
        %dma_start3A_185 = tpu.memref_slice %arg4[%dma_start3A_184] : memref<33264xf32, #tpu.memory_space<hbm>> -> memref<80xf32, #tpu.memory_space<hbm>>
        %dma_start3A_186 = arith.constant 160 : i32
        %dma_start3A_187 = tpu.memref_slice %arg9[%dma_start3A_186] : memref<240xf32, #tpu.memory_space<vmem>> -> memref<80xf32, #tpu.memory_space<vmem>>
        tpu.enqueue_dma source(%dma_start3A_187 : memref<80xf32, #tpu.memory_space<vmem>>) target(%dma_start3A_185 : memref<80xf32, #tpu.memory_space<hbm>>) target_semaphore(%run_scoped3A : memref<!tpu.dma_semaphore, #tpu.memory_space<semaphore_mem>>)
        %dma_wait3A_188 = arith.constant 160 : i32
        %dma_wait3A_189 = tpu.memref_slice %arg9[%dma_wait3A_188] : memref<240xf32, #tpu.memory_space<vmem>> -> memref<80xf32, #tpu.memory_space<vmem>>
        %dma_wait3A_190 = arith.constant 33184 : i32
        %dma_wait3A_191 = tpu.memref_slice %arg4[%dma_wait3A_190] : memref<33264xf32, #tpu.memory_space<hbm>> -> memref<80xf32, #tpu.memory_space<hbm>>
        %dma_wait3A_192 = arith.constant 33184 : i32
        %dma_wait3A_193 = tpu.memref_slice %arg4[%dma_wait3A_192] : memref<33264xf32, #tpu.memory_space<hbm>> -> memref<80xf32, #tpu.memory_space<hbm>>
        %dma_wait3A_194 = arith.constant 160 : i32
        %dma_wait3A_195 = tpu.memref_slice %arg9[%dma_wait3A_194] : memref<240xf32, #tpu.memory_space<vmem>> -> memref<80xf32, #tpu.memory_space<vmem>>
        tpu.wait_dma2 semaphore(%run_scoped3A : memref<!tpu.dma_semaphore, #tpu.memory_space<semaphore_mem>>) src(%dma_wait3A_195 : memref<80xf32, #tpu.memory_space<vmem>>) dst(%dma_wait3A_193 : memref<80xf32, #tpu.memory_space<hbm>>)
        tpu.yield
      }) : () -> ()
    } else {
    }
    return
  }
}

module attributes {stable_mosaic.version = 14 : i64} {
  func.func @_tc_body(%arg0: i32, %arg1: memref<1xi32, #tpu.memory_space<smem>>, %arg2: memref<3x1024x128xf32, #tpu.memory_space<vmem>>, %arg3: memref<3x1024x8xf32, #tpu.memory_space<vmem>>) attributes {dimension_semantics = [#tpu.dimension_semantics<arbitrary>], iteration_bounds = array<i64: 38>, scalar_prefetch = 1 : i64, scratch_operands = 0 : i64, tpu.core_type = #tpu.core_type<tc>, window_params = [{transform_indices = @transform_0, window_bounds = array<i64: 3, 1024, 128>}, {transform_indices = @transform_1, window_bounds = array<i64: 3, 1024, 8>}]} {
    %get3A = arith.constant 0 : index
    %get3A_0 = memref.load %arg1[%get3A] : memref<1xi32, #tpu.memory_space<smem>>
    %jit3A = arith.constant 128 : i32
    %eq3A = arith.constant 0 : i32
    %eq3A_1 = arith.cmpi eq, %jit3A, %eq3A : i32
    %jit3A_2 = arith.constant 1 : i32
    %select_n3A = arith.select %eq3A_1, %jit3A_2, %jit3A : i32
    %rem3A = arith.remsi %get3A_0, %select_n3A : i32
    %ne3A = arith.constant 0 : i32
    %ne3A_3 = arith.cmpi ne, %rem3A, %ne3A : i32
    %lt3A = arith.constant 0 : i32
    %lt3A_4 = arith.cmpi slt, %rem3A, %lt3A : i32
    %lt3A_5 = arith.constant 0 : i32
    %lt3A_6 = arith.cmpi slt, %select_n3A, %lt3A_5 : i32
    %ne3A_7 = arith.xori %lt3A_4, %lt3A_6 : i1
    %and3A = arith.andi %ne3A_7, %ne3A_3 : i1
    %add3A = arith.addi %rem3A, %select_n3A : i32
    %select_n3A_8 = arith.select %and3A, %add3A, %rem3A : i32
    %iota3A = tpu.iota {dimensions = array<i32: 0>} : vector<128x8xi32>
    %eq3A_9 = vector.broadcast %select_n3A_8 : i32 to vector<128x8xi32>
    %eq3A_10 = arith.cmpi eq, %iota3A, %eq3A_9 : vector<128x8xi32>
    %convert_element_type3A = arith.extui %eq3A_10 : vector<128x8xi1> to vector<128x8xi32>
    %convert_element_type3A_11 = arith.sitofp %convert_element_type3A : vector<128x8xi32> to vector<128x8xf32>
    %get3A_12 = arith.constant 0 : index
    %get3A_13 = arith.constant 0 : index
    %get3A_14 = arith.constant 0 : index
    %get3A_15 = vector.load %arg2[%get3A_12, %get3A_13, %get3A_14] : memref<3x1024x128xf32, #tpu.memory_space<vmem>>, vector<3x1024x128xf32>
    %reshape3A = vector.shape_cast %get3A_15 : vector<3x1024x128xf32> to vector<3072x128xf32>
    %dot_general3A = arith.constant dense<0.000000e+00> : vector<3072x8xf32>
    %dot_general3A_16 = tpu.matmul %reshape3A, %convert_element_type3A_11, %dot_general3A {dimension_numbers = #tpu.dot_dimension_numbers<[1], [0], [0], [1], [0, 0, 1, 1], [], []>, transpose_lhs_hint = false} : vector<3072x128xf32>, vector<128x8xf32>, vector<3072x8xf32> -> vector<3072x8xf32>
    %reshape3A_17 = vector.shape_cast %dot_general3A_16 : vector<3072x8xf32> to vector<3x1024x8xf32>
    %swap3A = arith.constant 0 : index
    %swap3A_18 = arith.constant 0 : index
    %swap3A_19 = arith.constant 0 : index
    %swap3A_20 = vector.load %arg3[%swap3A, %swap3A_18, %swap3A_19] : memref<3x1024x8xf32, #tpu.memory_space<vmem>>, vector<3x1024x8xf32>
    tpu.vector_store %arg3[%swap3A, %swap3A_18, %swap3A_19], %reshape3A_17 {strides = array<i32>} : memref<3x1024x8xf32, #tpu.memory_space<vmem>>, vector<3x1024x8xf32>,
    return
  }
  func.func @transform_0(%arg0: i32, %arg1: memref<1xi32, #tpu.memory_space<smem>>) -> (i32, i32, i32) {
    %get3A = arith.constant 0 : index
    %get3A_0 = memref.load %arg1[%get3A] : memref<1xi32, #tpu.memory_space<smem>>
    %jit3A = arith.constant 128 : i32
    %div3A = arith.divsi %get3A_0, %jit3A : i32
    %sign3A = arith.constant 0 : i32
    %sign3A_1 = arith.cmpi sgt, %get3A_0, %sign3A : i32
    %sign3A_2 = arith.extui %sign3A_1 : i1 to i32
    %sign3A_3 = arith.constant 0 : i32
    %sign3A_4 = arith.cmpi slt, %get3A_0, %sign3A_3 : i32
    %sign3A_5 = arith.extui %sign3A_4 : i1 to i32
    %sign3A_6 = arith.subi %sign3A_2, %sign3A_5 : i32
    %sign3A_7 = arith.constant 0 : i32
    %sign3A_8 = arith.cmpi sgt, %jit3A, %sign3A_7 : i32
    %sign3A_9 = arith.extui %sign3A_8 : i1 to i32
    %sign3A_10 = arith.constant 0 : i32
    %sign3A_11 = arith.cmpi slt, %jit3A, %sign3A_10 : i32
    %sign3A_12 = arith.extui %sign3A_11 : i1 to i32
    %sign3A_13 = arith.subi %sign3A_9, %sign3A_12 : i32
    %ne3A = arith.cmpi ne, %sign3A_6, %sign3A_13 : i32
    %rem3A = arith.remsi %get3A_0, %jit3A : i32
    %ne3A_14 = arith.constant 0 : i32
    %ne3A_15 = arith.cmpi ne, %rem3A, %ne3A_14 : i32
    %and3A = arith.andi %ne3A, %ne3A_15 : i1
    %sub3A = arith.constant 1 : i32
    %sub3A_16 = arith.subi %div3A, %sub3A : i32
    %select_n3A = arith.select %and3A, %sub3A_16, %div3A : i32
    %c0_i32 = arith.constant 0 : i32
    %c0_i32_17 = arith.constant 0 : i32
    return %c0_i32, %arg0, %select_n3A : i32, i32, i32
  }
  func.func @transform_1(%arg0: i32, %arg1: memref<1xi32, #tpu.memory_space<smem>>) -> (i32, i32, i32) {
    %c0_i32 = arith.constant 0 : i32
    %c0_i32_0 = arith.constant 0 : i32
    %c0_i32_1 = arith.constant 0 : i32
    return %c0_i32, %arg0, %c0_i32_0 : i32, i32, i32
  }
}

</mosaic_0001>

<sc_bundles>
// kernel: kernel.4.cloned.1.call-start
scs
__scs_entry_jumppad:
0x0: {  	(pc) =	sbr.rel $0x88, $3  }
0x1: {  	(tag) =	ssettag $0x0;
	lr =	simm.s32 $0x1  }
0x2: {  	[smem:$0x3F9F] =	sst lr;
	_ =	strace $0xD0000000  }
0x3: {  	_ = 	snop  }
0x4: {  	_ = 	snop  }
0x5: {  	_ = 	snop  }
0x6: {  	_ = 	snop  }
0x7: {  	_ = 	snop  }
__scs_overlays_trampoline_lowered:
0x8: {  	[smem:$0x3FAE] =	sst s0  }
0x9: {  	[smem:$0x3FAF] =	sst s1  }
0xa: {  	[smem:$0x3FB0] =	sst s2  }
0xb: {  	[smem:$0x3FB1] =	sst s3  }
0xc: {  	[smem:$0x3FB2] =	sst s4  }
0xd: {  	[smem:$0x3FB3] =	sst s5  }
0xe: {  	[smem:$0x3FB4] =	sst s6  }
0xf: {  	[smem:$0x3FB5] =	sst s7  }
0x10: {  	[smem:$0x3FB6] =	sst s8  }
0x11: {  	[smem:$0x3FB7] =	sst s9;
	s0 =	simm.s32 @!p0 $0x0  }
0x12: {  	s1 =	sld [smem:$0x3F9D];
	s0 =	simm.s32 @p0 $0x1  }
0x13: {  	[smem:$0x3FB8] =	sst s0;
	s0 =	simm.s32 @!p1 $0x0  }
0x14: {  	s2 =	sld [smem:$0x3F9C];
	s0 =	simm.s32 @p1 $0x1  }
0x15: {  	[smem:$0x3FB9] =	sst s0;
	s0 =	simm.s32 @!p2 $0x0  }
0x16: {  	s3 =	sld [smem:$0x3FDB];
	s0 =	simm.s32 @p2 $0x1  }
0x17: {  	s4 =	simm.s32 $0x1BF5;
	[smem:$0x3FBB] =	sst s0  }
0x18: {  	s0 =	sld [smem:$0x3F9E];
	_ =	swait.ge [sflag:s4], $0x0  }
0x19: {  	s7 =	sld [smem:$0x3F9F]  }
0x1a: {  	s8 =	sadd.s32 $0xFFFFE003, lr  }
0x1b: {  	s9 =	sadd.s32 $0xFFFFFEF7, lr;
	s5 =	simm.s32 $0xFFFFFFFF;
	p2 =	slt.u32 s8, $0xFFFFF086  }
0x1c: {  	p1 =	slt.u32 s9, $0xF7A;
	s5 =	simm.s32 @!p2 $0x0  }
0x1d: {  	s5 =	simm.s32 @p1 $0x1;
	p0 =	seq.s32 s7, s2  }
0x1e: {  	s7 =	smul.u32 @!p0 $0xF7A, s2;
	p2 =	seq.s32 @!p0 s5, $0x0  }
0x1f: {  	s9 =	smul.u32 $0xF7A, s1;
	s8 =	simm.s32 @!p0 $0x1BF5;
	p2 =	por !p2, p0  }
0x20: {  	[sflag:s8] =	ssyncset.s32 @!p0 $0xFFFFF086;
	s6 =	sadd.s32 @!p0 s3, s7;
	s7 =	simm.s32 @!p0 $0x108  }
0x21: {  	s3 =	sadd.s32 s3, s9;
	s6 =	sadd.s32 @!p0 $0x88, s6;
	s7 =	simm.s32 @p2 $0x1082  }
0x22: {  	[simem:s7], [sflag:s8] =	dma.local @!p0 [hbm:s6], $0xF7A  }
0x23: {  	s9 =	sor.u32 $0xD0000000, s2;
	s6 =	simm.s32 $0x108;
	_ =	swait.ge @!p0 [sflag:s8], $0x0  }
0x24: {  	s3 =	sadd.s32 $0x88, s3;
	s6 =	simm.s32 @!p1 $0x1082;
	[sflag:s4] =	ssyncset.s32 $0xFFFFF086  }
0x25: {  	[simem:s6], [sflag:s4] =	dma.local [hbm:s3], $0xF7A  }
0x26: {  	[smem:$0x3F9F] =	sst s1;
	(tag) =	ssettag s2;
	_ =	strace s9  }
0x27: {  	s1 =	sld [smem:$0x3FAF]  }
0x28: {  	s2 =	sld [smem:$0x3FB0]  }
0x29: {  	s4 =	sld [smem:$0x3FB2]  }
0x2a: {  	p0 =	seq.s32 s5, $0x0;
	s5 =	sld [smem:$0x3FB3]  }
0x2b: {  	s6 =	sld [smem:$0x3FB4]  }
0x2c: {  	s7 =	sld [smem:$0x3FB5]  }
0x2d: {  	s3 =	simm.s32 $0x108;
	s8 =	sld [smem:$0x3FB6]  }
0x2e: {  	s3 =	simm.s32 @!p0 $0x1082;
	s9 =	sld [smem:$0x3FB7]  }
0x2f: {  	lr =	sadd.s32 s0, s3;
	s0 =	sld [smem:$0x3FAE]  }
0x30: {  	s3 =	sld [smem:$0x3FB1]  }
0x31: {  	[smem:$0x3FBA] =	sst s10  }
0x32: {  	s10 =	sld [smem:$0x3FB8];
	_ =	sdelay $0x3  }
0x33: {  	p0 =	seq.s32 s10, $0x1;
	s10 =	sld [smem:$0x3FBA];
	_ =	sdelay $0x3  }
0x34: {  	[smem:$0x3FBA] =	sst s10  }
0x35: {  	s10 =	sld [smem:$0x3FB9];
	_ =	sdelay $0x3  }
0x36: {  	p1 =	seq.s32 s10, $0x1;
	s10 =	sld [smem:$0x3FBA];
	_ =	sdelay $0x3  }
0x37: {  	[smem:$0x3FBA] =	sst s10  }
0x38: {  	s10 =	sld [smem:$0x3FBB]  }
0x39: {  	_ = 	snop;
	(pc) =	sbr.ind lr, $3  }
0x3a: {  	_ = 	snop  }
0x3b: {  	_ = 	snop  }
0x3c: {  	p2 =	seq.s32 s10, $0x1;
	s10 =	sld [smem:$0x3FBA]  }
0x3d: {  	_ =	shalt  }
0x3e: {  	_ =	shalt  }
0x3f: {  	_ =	shalt  }
0x40: {  	_ =	shalt  }
0x41: {  	_ =	shalt  }
0x42: {  	_ =	shalt  }
0x43: {  	_ =	shalt  }
0x44: {  	_ =	shalt  }
0x45: {  	_ =	shalt  }
0x46: {  	_ =	shalt  }
0x47: {  	_ =	shalt  }
0x48: {  	_ =	shalt  }
0x49: {  	_ =	shalt  }
0x4a: {  	_ =	shalt  }
0x4b: {  	_ =	shalt  }
0x4c: {  	_ =	shalt  }
0x4d: {  	_ =	shalt  }
0x4e: {  	_ =	shalt  }
0x4f: {  	_ =	shalt  }
0x50: {  	_ =	shalt  }
0x51: {  	_ =	shalt  }
0x52: {  	_ =	shalt  }
0x53: {  	_ =	shalt  }
0x54: {  	_ =	shalt  }
0x55: {  	_ =	shalt  }
0x56: {  	_ =	shalt  }
0x57: {  	_ =	shalt  }
0x58: {  	_ =	shalt  }
0x59: {  	_ =	shalt  }
0x5a: {  	_ =	shalt  }
0x5b: {  	_ =	shalt  }
0x5c: {  	_ =	shalt  }
0x5d: {  	_ =	shalt  }
0x5e: {  	_ =	shalt  }
0x5f: {  	_ =	shalt  }
0x60: {  	_ =	shalt  }
0x61: {  	_ =	shalt  }
0x62: {  	_ =	shalt  }
0x63: {  	_ =	shalt  }
0x64: {  	_ =	shalt  }
0x65: {  	_ =	shalt  }
0x66: {  	_ =	shalt  }
0x67: {  	_ =	shalt  }
0x68: {  	_ =	shalt  }
0x69: {  	_ =	shalt  }
0x6a: {  	_ =	shalt  }
0x6b: {  	_ =	shalt  }
0x6c: {  	_ =	shalt  }
0x6d: {  	_ =	shalt  }
0x6e: {  	_ =	shalt  }
0x6f: {  	_ =	shalt  }
0x70: {  	_ =	shalt  }
0x71: {  	_ =	shalt  }
0x72: {  	_ =	shalt  }
0x73: {  	_ =	shalt  }
0x74: {  	_ =	shalt  }
0x75: {  	_ =	shalt  }
0x76: {  	_ =	shalt  }
0x77: {  	_ =	shalt  }
0x78: {  	_ =	shalt  }
0x79: {  	_ =	shalt  }
0x7a: {  	_ =	shalt  }
0x7b: {  	_ =	shalt  }
0x7c: {  	_ =	shalt  }
0x7d: {  	_ =	shalt  }
0x7e: {  	_ =	shalt  }
0x7f: {  	_ =	shalt  }
0x80: {  	_ =	shalt  }
0x81: {  	_ =	shalt  }
0x82: {  	_ =	shalt  }
0x83: {  	_ =	shalt  }
0x84: {  	_ =	shalt  }
0x85: {  	_ =	shalt  }
0x86: {  	_ =	shalt  }
0x87: {  	_ =	shalt  }
.Lfunc_end0:
.L_simem_size_0:
called_computation_lowered:
.L_overlay_start_0:
0x88: {  	s2 =	sld [smem:$0x3FD9]  }
0x89: {  	s3 =	sld [smem:$0x3FFE];
	_ =	sdelay $0x1  }
0x8a: {  	s1 =	srdreg.scid  }
0x8b: {  	s0 =	sand.u32 $0x1, s1  }
0x8c: {  	s17 =	sshll.u32 s0, $0xA;
	s2 =	sadd.s32 s3, s2  }
0x8d: {  	s2 =	sadd.s32 s2, s17  }
0x8e: {  	[smem:$0x3FC6] =	sst s2  }
0x8f: {  	_ = 	snop  }
0x90: {  	s2 =	sld [smem:$0x3FC9]  }
0x91: {  	s18 =	sld [smem:$0x3FD0];
	(tm) =	ssettm $0x1  }
0x92: {  	s4 =	sld [smem:$0x3FFB];
	_ =	sdelay $0x3  }
0x93: {  	_ =	strace s4  }
0x94: {  	s4 =	sld [smem:$0x3FFC];
	_ =	sdelay $0x3  }
0x95: {  	_ =	strace s4  }
0x96: {  	s4 =	sld [smem:$0x3FFD];
	_ =	sdelay $0x3  }
0x97: {  	_ =	strace s4  }
0x98: {  	_ =	strace $0x8FFFFFFF  }
0x99: {  	s19 =	sld [smem:$0x3FDB];
	_ =	sdelay $0x1  }
0x9a: {  	s5 =	simm.s32 $_scs_section_size  }
0x9b: {  	s6 =	simm.s32 $_size__tile_overlayer_lowered;
	s7 =	simm.s32 $_tile_overlayer_lowered  }
0x9c: {  	s22 =	simm.s32 $0x1BFF;
	s21 =	sshll.u32 s7, $0x1;
	s4 =	sadd.s32 s5, s19  }
0x9d: {  	s8 =	simm.s32 $0x0;
	s20 =	sshll.u32 s6, $0x1;
	s6 =	sadd.s32 s21, s4  }
0x9e: {  	[timem:s8], [sflag:s22] =	dma.local [hbm:s6], s20  }
0x9f: {  	_ =	swait.ge [sflag:s22], s20  }
0xa0: {  	s5 =	ssub.s32 $0x0, s20;
	[sflag:s22] =	ssyncset.done $0x0  }
0xa1: {  	[sflag:s22] =	ssyncadd.s32 s5;
	_ =	sdelay $0x1  }
0xa2: {  	s23 =	simm.s32 $0x1B8B  }
0xa3: {  	_ =	swait.ge [sflag:s23], $0x1  }
0xa4: {  	[sflag:s23] =	ssyncset.done $0x0  }
0xa5: {  	s25 =	simm.s32 $0x1B8E;
	s24 =	sld [smem:$0x3FFE];
	[sflag:s23] =	ssyncadd.s32 $0xFFFFFFFF  }
0xa6: {  	s26 =	simm.s32 $execute0_lowered;
	[smem:$0x3FD2] =	sst s25  }
0xa7: {  	s6 =	sshll.u32 s26, $0x1;
	_ =	strace $0x80000046;
	[dreg:$0x1] =	wrdreg $0xFFFFFFFF  }
0xa8: {  	s28 =	simm.s32 $_size_execute0_lowered;
	s4 =	sadd.s32 s4, s6;
	[dreg:$0x0] =	wrdreg $0x0  }
0xa9: {  	s6 =	sshll.u32 s28, $0x1;
	[dreg:$0x2] =	wrdreg s4  }
0xaa: {  	[dreg:$0x3] =	wrdreg s6  }
0xab: {  	[dreg:$0x4] =	wrdreg $0xC0  }
0xac: {  	_ =	task [dreg:s8], $0x5FFFF  }
0xad: {  	[dreg:$0x1] =	wrdreg $0xFFFFFFFF  }
0xae: {  	[dreg:$0x0] =	wrdreg $0x60  }
0xaf: {  	[dreg:$0x2] =	wrdreg s2  }
0xb0: {  	[dreg:$0x3] =	wrdreg s24  }
0xb1: {  	[dreg:$0x4] =	wrdreg s18  }
0xb2: {  	[dreg:$0x5] =	wrdreg $0x9  }
0xb3: {  	_ =	task.clear_ibuf [dreg:s8], $0x6FFFF;
	_ =	strace $0x90000046  }
0xb4: {  	s29 =	simm.s32 $0x9;
	_ =	strace $0x80000048  }
0xb5: {  	_ =	swait.ge [sflag:s29], $0x1  }
0xb6: {  	[sflag:s29] =	ssyncadd.s32 $0xFFFFFFFF  }
0xb7: {  	_ =	strace $0x90000048  }
0xb8: {  	_ =	sfence  }
0xb9: {  	s30 =	sld [smem:$0x0];
	_ =	sdelay $0x2  }
0xba: {  	s31 =	sshll.u32 s1, $0xD;
	s1 =	sshrl.u32 s1, $0x2  }
0xbb: {  	s3 =	sand.u32 $0x4000, s31;
	s1 =	sadd.s32 s1, s30  }
0xbc: {  	s0 =	sor.u32 s3, s0;
	s1 =	sshll.u32 s1, $0x11  }
0xbd: {  	s0 =	sor.u32 s1, s0  }
0xbe: {  	s0 =	sadd.s32 $0x8F2B, s0  }
0xbf: {  	[sflag:s0] =	ssyncadd.remote.s32 $0x1  }
0xc0: {  	_ =	sfence.sel $0xFFFF  }
0xc1: {  	[dreg:$0x0] =	wrdreg $0xFFFFFFFF;
	(pc) =	sbr.abs _section_cstart, $3  }
0xc2: {  	[dreg:$0x1] =	wrdreg $0xFFFFFFFF  }
0xc3: {  	_ =	task.clear_ibuf [dreg:s8], $0x2FFFF;
	_ =	strace $0x9FFFFFFF  }
0xc4: {  	(tm) =	ssettm $0x7FFFFFFF  }
0xc5: {  	_ =	shalt  }
tec
execute0_lowered:
.L_overlay_start_1:
0x0: {  	(tag) =	ssettag $0x1  }
0x1: {  	v1 =	vimm.s32 $0xC30B80  }
0x2: {  	vm13 =	vcmask $0x300;
	vm1 =	vcmask $0x704;
	vm2 =	vcmask $0xB08  }
0x3: {  	vm3 =	vcmask $0xF0C;
	vm4 =	vcmask $0x1310;
	vm5 =	vcmask $0x1714  }
0x4: {  	vm6 =	vcmask $0x1B18;
	vm0 =	vcmask $0x1F1C;
	vm7 =	vcmask $0x2320  }
0x5: {  	vm8 =	vcmask $0x2724;
	vm9 =	vcmask $0x2B28;
	vm10 =	vcmask $0x2F2C  }
0x6: {  	vm11 =	vcmask $0x3330;
	vm12 =	vcmask $0x3734;
	v4 =	vimm.s32 $0xC34B80  }
0x7: {  	v5 =	vimm.s32 $0x1865B80;
	v6 =	vimm.s32 $0x1866B80;
	v7 =	vimm.s32 $0x1867B80  }
0x8: {  	v8 =	vimm.s32 $0x1868B80;
	v9 =	vimm.s32 $0x1869B80;
	v10 =	vimm.s32 $0x249AB80  }
0x9: {  	v11 =	vimm.s32 $0x249BB80;
	v14 =	vimm.s32 $0x249CB80;
	v15 =	vimm.s32 $0x249DB80  }
0xa: {  	v17 =	vimm.s32 $0x249EB80;
	v1 =	vsel vm13, $0xC30000, v1;
	v4 =	vsel vm13, $0xC34000, v4  }
0xb: {  	v5 =	vsel vm13, $0x1865000, v5;
	v6 =	vsel vm13, $0x1866000, v6;
	v7 =	vsel vm13, $0x1867000, v7  }
0xc: {  	s11 =	simm.s32 $0x160;
	v8 =	vsel vm13, $0x1868000, v8;
	v9 =	vsel vm13, $0x1869000, v9;
	v10 =	vsel vm13, $0x249A000, v10  }
0xd: {  	s12 =	simm.s32 $0x500;
	s13 =	simm.s32 $0x1E0;
	s14 =	simm.s32 $0x660;
	v11 =	vsel vm13, $0x249B000, v11;
	v16 =	vsel vm13, $0x249C000, v14;
	v14 =	vsel vm13, $0x249D000, v15  }
0xe: {  	s15 =	simm.s32 $0x340;
	v15 =	vsel vm13, $0x249E000, v17;
	v1 =	vsel vm1, $0xC30080, v1;
	v4 =	vsel vm1, $0xC34080, v4  }
0xf: {  	s1 =	srdreg.scid;
	s0 =	stileid.u32;
	v5 =	vsel vm1, $0x1865080, v5;
	v6 =	vsel vm1, $0x1866080, v6;
	v7 =	vsel vm1, $0x1867080, v7  }
0x10: {  	s23 =	sand.u32 $0x1, s1;
	s30 =	sshll.u32 s0, $0x1;
	v8 =	vsel vm1, $0x1868080, v8;
	v9 =	vsel vm1, $0x1869080, v9;
	v10 =	vsel vm1, $0x249A080, v10  }
0x11: {  	s20 =	sor.u32 s23, s30;
	v11 =	vsel vm1, $0x249B080, v11;
	v16 =	vsel vm1, $0x249C080, v16;
	v14 =	vsel vm1, $0x249D080, v14  }
0x12: {  	v2 =	vlaneseq.u32;
	s16 =	simm.s32 $0x7C0;
	v15 =	vsel vm1, $0x249E080, v15;
	s5 =	smul.u32 $0x158, s20;
	v1 =	vsel vm2, $0xC30100, v1  }
0x13: {  	v4 =	vsel vm2, $0xC34100, v4;
	v5 =	vsel vm2, $0x1865100, v5;
	v6 =	vsel vm2, $0x1866100, v6  }
0x14: {  	v7 =	vsel vm2, $0x1867100, v7;
	v8 =	vsel vm2, $0x1868100, v8;
	v9 =	vsel vm2, $0x1869100, v9  }
0x15: {  	v10 =	vsel vm2, $0x249A100, v10;
	v11 =	vsel vm2, $0x249B100, v11;
	v16 =	vsel vm2, $0x249C100, v16  }
0x16: {  	v14 =	vsel vm2, $0x249D100, v14;
	v15 =	vsel vm2, $0x249E100, v15;
	v1 =	vsel vm3, $0xC30180, v1  }
0x17: {  	v4 =	vsel vm3, $0xC34180, v4;
	v5 =	vsel vm3, $0x1865180, v5;
	v6 =	vsel vm3, $0x1866180, v6  }
0x18: {  	v7 =	vsel vm3, $0x1867180, v7;
	v8 =	vsel vm3, $0x1868180, v8;
	v9 =	vsel vm3, $0x1869180, v9  }
0x19: {  	v10 =	vsel vm3, $0x249A180, v10;
	v11 =	vsel vm3, $0x249B180, v11;
	v16 =	vsel vm3, $0x249C180, v16  }
0x1a: {  	v3 =	vmul.u32 $0x100, v2;
	v14 =	vsel vm3, $0x249D180, v14;
	v15 =	vsel vm3, $0x249E180, v15;
	s31 =	sadd.s32 $0x9800, s5  }
0x1b: {  	v4 =	vsel vm4, $0xC34200, v4;
	v5 =	vsel vm4, $0x1865200, v5;
	v6 =	vsel vm4, $0x1866200, v6  }
0x1c: {  	v7 =	vsel vm4, $0x1867200, v7;
	v8 =	vsel vm4, $0x1868200, v8;
	v9 =	vsel vm4, $0x1869200, v9  }
0x1d: {  	v10 =	vsel vm4, $0x249A200, v10;
	v11 =	vsel vm4, $0x249B200, v11;
	v16 =	vsel vm4, $0x249C200, v16  }
0x1e: {  	s17 =	simm.s32 $0x50;
	s18 =	simm.s32 $0x980;
	v14 =	vsel vm4, $0x249D200, v14;
	v15 =	vsel vm4, $0x249E200, v15;
	v0 =	vmov s31  }
0x1f: {  	v4 =	vsel vm5, $0xC34280, v4;
	v5 =	vsel vm5, $0x1865280, v5;
	v6 =	vsel vm5, $0x1866280, v6  }
0x20: {  	v7 =	vsel vm5, $0x1867280, v7;
	v8 =	vsel vm5, $0x1868280, v8;
	v9 =	vsel vm5, $0x1869280, v9  }
0x21: {  	v10 =	vsel vm5, $0x249A280, v10;
	v11 =	vsel vm5, $0x249B280, v11;
	v16 =	vsel vm5, $0x249C280, v16  }
0x22: {  	s19 =	simm.s32 $0xA80;
	s21 =	simm.s32 $0x9D0;
	v14 =	vsel vm5, $0x249D280, v14;
	v15 =	vsel vm5, $0x249E280, v15;
	v0 =	vshll.u32 v0, $0x8  }
0x23: {  	v4 =	vsel vm6, $0xC34300, v4;
	v5 =	vsel vm6, $0x1865300, v5;
	v6 =	vsel vm6, $0x1866300, v6  }
0x24: {  	v7 =	vsel vm6, $0x1867300, v7;
	v8 =	vsel vm6, $0x1868300, v8;
	v9 =	vsel vm6, $0x1869300, v9  }
0x25: {  	v10 =	vsel vm6, $0x249A300, v10;
	v11 =	vsel vm6, $0x249B300, v11;
	v16 =	vsel vm6, $0x249C300, v16  }
0x26: {  	s22 =	simm.s32 $0xAD0;
	s26 =	simm.s32 $0xA20;
	v14 =	vsel vm6, $0x249D300, v14;
	v15 =	vsel vm6, $0x249E300, v15;
	v0 =	vadd.s32 v3, v0  }
0x27: {  	v3 =	vimm.s32 $0xC33B80;
	v4 =	vsel vm0, $0xC34380, v4;
	v5 =	vsel vm0, $0x1865380, v5  }
0x28: {  	v6 =	vsel vm0, $0x1866380, v6;
	v7 =	vsel vm0, $0x1867380, v7;
	v8 =	vsel vm0, $0x1868380, v8  }
0x29: {  	s4 =	rddreg [dreg:$0x1];
	v9 =	vsel vm0, $0x1869380, v9;
	v10 =	vsel vm0, $0x249A380, v10;
	v11 =	vsel vm0, $0x249B380, v11  }
0x2a: {  	s2 =	simm.s32 $0x0;
	s10 =	rddreg [dreg:$0x2];
	v16 =	vsel vm0, $0x249C380, v16;
	v14 =	vsel vm0, $0x249D380, v14;
	v15 =	vsel vm0, $0x249E380, v15  }
0x2b: {  	s28 =	simm.s32 $0xB20;
	[smem:$0x7FF] =	sst s2;
	s4 =	sadd.s32 $0x200, s4;
	v12 =	vand.u32 $0xFFFFF800, v0;
	v0 =	vsel vm4, $0xC30200, v1;
	v1 =	vand.u32 $0x7, v2  }
0x2c: {  	s8 =	sadd.s32 $0x560, s10;
	v2 =	vimm.s32 $0xC31B80;
	v3 =	vsel vm13, $0xC33000, v3;
	v4 =	vsel vm7, $0xC34800, v4  }
0x2d: {  	v5 =	vsel vm7, $0x1865800, v5;
	v6 =	vsel vm7, $0x1866800, v6;
	v7 =	vsel vm7, $0x1867800, v7  }
0x2e: {  	v8 =	vsel vm7, $0x1868800, v8;
	v9 =	vsel vm7, $0x1869800, v9;
	v10 =	vsel vm7, $0x249A800, v10  }
0x2f: {  	v11 =	vsel vm7, $0x249B800, v11;
	v16 =	vsel vm7, $0x249C800, v16;
	v14 =	vsel vm7, $0x249D800, v14  }
0x30: {  	v15 =	vsel vm7, $0x249E800, v15;
	v0 =	vsel vm5, $0xC30280, v0;
	v13 =	vmul.u32 $0x80, v1  }
0x31: {  	s9 =	sadd.s32 $0xACA, s10;
	v1 =	vsel vm13, $0xC31000, v2;
	v2 =	vimm.s32 $0xC32B80;
	v3 =	vsel vm1, $0xC33080, v3  }
0x32: {  	v4 =	vsel vm8, $0xC34880, v4;
	v5 =	vsel vm8, $0x1865880, v5;
	v6 =	vsel vm8, $0x1866880, v6  }
0x33: {  	v7 =	vsel vm8, $0x1867880, v7;
	v8 =	vsel vm8, $0x1868880, v8;
	v9 =	vsel vm8, $0x1869880, v9  }
0x34: {  	v10 =	vsel vm8, $0x249A880, v10;
	v11 =	vsel vm8, $0x249B880, v11;
	v16 =	vsel vm8, $0x249C880, v16  }
0x35: {  	s3 =	rddreg [dreg:$0x3];
	v14 =	vsel vm8, $0x249D880, v14;
	v15 =	vsel vm8, $0x249E880, v15;
	v0 =	vsel vm6, $0xC30300, v0  }
0x36: {  	s1 =	rddreg [dreg:$0x0];
	_ =	strace $0x80000047;
	v1 =	vsel vm1, $0xC31080, v1;
	v2 =	vsel vm13, $0xC32000, v2;
	vm13 =	vcmask $0x3B38  }
0x37: {  	v3 =	vsel vm2, $0xC33100, v3;
	v4 =	vsel vm9, $0xC34900, v4;
	v5 =	vsel vm9, $0x1865900, v5  }
0x38: {  	v6 =	vsel vm9, $0x1866900, v6;
	v7 =	vsel vm9, $0x1867900, v7;
	v8 =	vsel vm9, $0x1868900, v8  }
0x39: {  	v9 =	vsel vm9, $0x1869900, v9;
	v10 =	vsel vm9, $0x249A900, v10;
	v11 =	vsel vm9, $0x249B900, v11  }
0x3a: {  	v16 =	vsel vm9, $0x249C900, v16;
	v14 =	vsel vm9, $0x249D900, v14;
	v15 =	vsel vm9, $0x249E900, v15  }
0x3b: {  	v0 =	vsel vm0, $0xC30380, v0;
	v1 =	vsel vm2, $0xC31100, v1;
	v2 =	vsel vm1, $0xC32080, v2  }
0x3c: {  	v3 =	vsel vm3, $0xC33180, v3;
	v4 =	vsel vm10, $0xC34980, v4;
	v5 =	vsel vm10, $0x1865980, v5  }
0x3d: {  	v6 =	vsel vm10, $0x1866980, v6;
	v7 =	vsel vm10, $0x1867980, v7;
	v8 =	vsel vm10, $0x1868980, v8  }
0x3e: {  	s5 =	sshrl.u32 s5, $0x3;
	v9 =	vsel vm10, $0x1869980, v9;
	v10 =	vsel vm10, $0x249A980, v10;
	v11 =	vsel vm10, $0x249B980, v11  }
0x3f: {  	s5 =	sadd.s32 s10, s5;
	v16 =	vsel vm10, $0x249C980, v16;
	v14 =	vsel vm10, $0x249D980, v14;
	v15 =	vsel vm10, $0x249E980, v15  }
0x40: {  	s10 =	sadd.s32 $0x1034, s10;
	s6 =	sadd.s32 $0x56A, s5;
	v12 =	vor.u32 v13, v12;
	v0 =	vsel vm7, $0xC30800, v0;
	v1 =	vsel vm3, $0xC31180, v1  }
0x41: {  	v2 =	vsel vm2, $0xC32100, v2;
	v3 =	vsel vm4, $0xC33200, v3;
	v4 =	vsel vm11, $0xC34A00, v4  }
0x42: {  	v5 =	vsel vm11, $0x1865A00, v5;
	v6 =	vsel vm11, $0x1866A00, v6;
	v7 =	vsel vm11, $0x1867A00, v7  }
0x43: {  	v8 =	vsel vm11, $0x1868A00, v8;
	v9 =	vsel vm11, $0x1869A00, v9;
	v10 =	vsel vm11, $0x249AA00, v10  }
0x44: {  	v11 =	vsel vm11, $0x249BA00, v11;
	v16 =	vsel vm11, $0x249CA00, v16;
	v17 =	vsel vm11, $0x249DA00, v14  }
0x45: {  	v15 =	vsel vm11, $0x249EA00, v15;
	v0 =	vsel vm8, $0xC30880, v0;
	v1 =	vsel vm4, $0xC31200, v1  }
0x46: {  	v2 =	vsel vm3, $0xC32180, v2;
	v3 =	vsel vm5, $0xC33280, v3;
	v4 =	vsel vm12, $0xC34A80, v4  }
0x47: {  	v5 =	vsel vm12, $0x1865A80, v5;
	v6 =	vsel vm12, $0x1866A80, v6;
	v7 =	vsel vm12, $0x1867A80, v7  }
0x48: {  	v8 =	vsel vm12, $0x1868A80, v8;
	v9 =	vsel vm12, $0x1869A80, v9;
	v10 =	vsel vm12, $0x249AA80, v10  }
0x49: {  	v11 =	vsel vm12, $0x249BA80, v11;
	v16 =	vsel vm12, $0x249CA80, v16;
	v15 =	vsel vm12, $0x249EA80, v15  }
0x4a: {  	v1 =	vsel vm5, $0xC31280, v1;
	v0 =	vsel vm9, $0xC30900, v0;
	v2 =	vsel vm4, $0xC32200, v2  }
0x4b: {  	v3 =	vsel vm6, $0xC33300, v3;
	v4 =	vsel vm13, $0xC34B00, v4;
	v5 =	vsel vm13, $0x1865B00, v5  }
0x4c: {  	v6 =	vsel vm13, $0x1866B00, v6;
	v7 =	vsel vm13, $0x1867B00, v7;
	v8 =	vsel vm13, $0x1868B00, v8  }
0x4d: {  	v9 =	vsel vm13, $0x1869B00, v9;
	v10 =	vsel vm13, $0x249AB00, v10;
	v11 =	vsel vm13, $0x249BB00, v11  }
0x4e: {  	v14 =	vsel vm13, $0x249CB00, v16;
	v16 =	vsel vm12, $0x249DA80, v17;
	v15 =	vsel vm13, $0x249EB00, v15  }
0x4f: {  	v1 =	vsel vm6, $0xC31300, v1;
	v2 =	vsel vm5, $0xC32280, v2;
	v0 =	vsel vm10, $0xC30980, v0  }
0x50: {  	v3 =	vsel vm0, $0xC33380, v3;
	v13 =	vsel vm13, $0x249DB00, v16;
	v1 =	vsel vm0, $0xC31380, v1  }
0x51: {  	v2 =	vsel vm6, $0xC32300, v2;
	v0 =	vsel vm11, $0xC30A00, v0;
	v3 =	vsel vm7, $0xC33800, v3  }
0x52: {  	v1 =	vsel vm7, $0xC31800, v1;
	v2 =	vsel vm0, $0xC32380, v2;
	v0 =	vsel vm12, $0xC30A80, v0  }
0x53: {  	v3 =	vsel vm8, $0xC33880, v3;
	v1 =	vsel vm8, $0xC31880, v1;
	v2 =	vsel vm7, $0xC32800, v2  }
0x54: {  	v0 =	vsel vm13, $0xC30B00, v0;
	v3 =	vsel vm9, $0xC33900, v3;
	v2 =	vsel vm8, $0xC32880, v2  }
.Ltmp0:
0x55: {  	s7 =	sadd.s32 $0xAD4, s5;
	v1 =	vsel vm9, $0xC31900, v1;
	v2 =	vsel vm9, $0xC32900, v2;
	(pc) =	sbr.rel .LBB2_1-.Ltmp0, $4  }
0x56: {  	s23 =	ssub.s32 $0x2, s23;
	v3 =	vsel vm10, $0xC33980, v3;
	v1 =	vsel vm10, $0xC31980, v1;
	v2 =	vsel vm10, $0xC32980, v2  }
0x57: {  	s24 =	sshrl.u32 s23, $0x1;
	v3 =	vsel vm11, $0xC33A00, v3;
	v1 =	vsel vm11, $0xC31A00, v1;
	v2 =	vsel vm11, $0xC32A00, v2  }
0x58: {  	s25 =	simm.s32 $0x1;
	p0 =	sne.s32 s20, $0x0;
	s23 =	ssub.s32 s23, s24;
	v3 =	vsel vm12, $0xC33A80, v3;
	v1 =	vsel vm12, $0xC31A80, v1;
	v2 =	vsel vm12, $0xC32A80, v2  }
0x59: {  	s20 =	simm.s32 $0x2;
	s24 =	simm.s32 $0x80;
	s23 =	smax.u32 s23, $0x1;
	v3 =	vsel vm13, $0xC33B00, v3;
	v1 =	vsel vm13, $0xC31B00, v1;
	v2 =	vsel vm13, $0xC32B00, v2  }
.LBB2_3:
0x5a: {  	s23 =	sadd.s32 $0xFFFFFFFF, s23  }
0x5b: {  	p1 =	sne.s32 s23, $0x0  }
.Ltmp1:
0x5c: {  	_ = 	snop;
	(pc) =	sbr.rel @!p1 .LBB2_4-.Ltmp1, $1  }
0x5d: {  	_ =	sdelay $0x3  }
.LBB2_1:
0x5e: {  	[tilespmem:s2], [sflag:$0x2] =	stream.linear.gather [hbm4b:s4+s2], $0x80, $0x38;
	[tilespmem:$0xB80] =	vst v63  }
0x5f: {  	_ =	swait.ge [sflag:s20], $0x80  }
0x60: {  	[sflag:s20] =	ssyncset.done $0x0  }
0x61: {  	[sflag:s20] =	ssyncadd.s32 $0xFFFFFF80  }
0x62: {  	v16 =	vld [tilespmem:$0x0];
	_ =	sdelay $0x4  }
0x63: {  	(v2sf) =	vpush v16, $0x0;
	_ =	sdelay $0xe  }
0x64: {  	s29 =	spop (v2sf)  }
0x65: {  	s30 =	sshll.u32 s29, $0x3  }
0x66: {  	s29 =	sand.u32 $0x7F, s29;
	s30 =	sand.u32 $0xFFFFFC00, s30  }
0x67: {  	s29 =	sor.u32 s29, s30  }
0x68: {  	v16 =	vadd.s32 s29, v12  }
0x69: {  	[tilespmem:$0x80] =	vst v16;
	v17 =	vadd.s32 $0x1000, v16  }
0x6a: {  	[tilespmem:$0x90] =	vst v17;
	v17 =	vadd.s32 $0x2000, v16  }
0x6b: {  	[tilespmem:$0xA0] =	vst v17;
	v17 =	vadd.s32 $0x3000, v16  }
0x6c: {  	[tilespmem:$0xB0] =	vst v17;
	v17 =	vadd.s32 $0x4000, v16  }
0x6d: {  	[tilespmem:$0xC0] =	vst v17;
	v17 =	vadd.s32 $0x5000, v16  }
0x6e: {  	[tilespmem:$0xD0] =	vst v17;
	v17 =	vadd.s32 $0x6000, v16  }
0x6f: {  	[tilespmem:$0xE0] =	vst v17;
	v17 =	vadd.s32 $0x7000, v16  }
0x70: {  	[tilespmem:$0xF0] =	vst v17;
	v17 =	vadd.s32 $0x8000, v16  }
0x71: {  	[tilespmem:$0x100] =	vst v17;
	v17 =	vadd.s32 $0x9000, v16  }
0x72: {  	[tilespmem:$0x110] =	vst v17;
	v17 =	vadd.s32 $0xA000, v16  }
0x73: {  	[tilespmem:$0x120] =	vst v17;
	v17 =	vadd.s32 $0xB000, v16  }
0x74: {  	[tilespmem:$0x130] =	vst v17;
	v17 =	vadd.s32 $0xC000, v16  }
0x75: {  	[tilespmem:$0x140] =	vst v17;
	v17 =	vadd.s32 $0xD000, v16  }
0x76: {  	[tilespmem:$0x150] =	vst v17;
	v17 =	vadd.s32 $0xE000, v16  }
0x77: {  	[tilespmem:$0x160] =	vst v17;
	v17 =	vadd.s32 $0xF000, v16  }
0x78: {  	[tilespmem:$0x170] =	vst v17;
	v17 =	vadd.s32 $0x10000, v16  }
0x79: {  	[tilespmem:$0x180] =	vst v17;
	v17 =	vadd.s32 $0x11000, v16  }
0x7a: {  	[tilespmem:$0x190] =	vst v17;
	v17 =	vadd.s32 $0x12000, v16  }
0x7b: {  	[tilespmem:$0x1A0] =	vst v17;
	v17 =	vadd.s32 $0x13000, v16  }
0x7c: {  	[tilespmem:$0x1B0] =	vst v17;
	v17 =	vadd.s32 $0x14000, v16  }
0x7d: {  	[tilespmem:$0x1C0] =	vst v17;
	v17 =	vadd.s32 $0x15000, v16  }
0x7e: {  	[tilespmem:$0x1D0] =	vst v17  }
0x7f: {  	v17 =	vadd.s32 $0xC35000, v16;
	[tilespmem:s12], [sflag:$0x1] =	stream.indirect.gather [hbm4b:s1+s11], $0x1, s24, s11, $0xb8;
	[tilespmem:$0xB80] =	vst v63  }
0x80: {  	[tilespmem:$0x1E0] =	vst v17;
	v17 =	vadd.s32 $0xC36000, v16  }
0x81: {  	[tilespmem:$0x1F0] =	vst v17;
	v17 =	vadd.s32 $0xC37000, v16  }
0x82: {  	[tilespmem:$0x200] =	vst v17;
	v17 =	vadd.s32 $0xC38000, v16  }
0x83: {  	[tilespmem:$0x210] =	vst v17;
	v17 =	vadd.s32 $0xC39000, v16  }
0x84: {  	[tilespmem:$0x220] =	vst v17;
	v17 =	vadd.s32 $0xC3A000, v16  }
0x85: {  	[tilespmem:$0x230] =	vst v17;
	v17 =	vadd.s32 $0xC3B000, v16  }
0x86: {  	[tilespmem:$0x240] =	vst v17;
	v17 =	vadd.s32 $0xC3C000, v16  }
0x87: {  	[tilespmem:$0x250] =	vst v17;
	v17 =	vadd.s32 $0xC3D000, v16  }
0x88: {  	[tilespmem:$0x260] =	vst v17;
	v17 =	vadd.s32 $0xC3E000, v16  }
0x89: {  	[tilespmem:$0x270] =	vst v17;
	v17 =	vadd.s32 $0xC3F000, v16  }
0x8a: {  	[tilespmem:$0x280] =	vst v17;
	v17 =	vadd.s32 $0xC40000, v16  }
0x8b: {  	[tilespmem:$0x290] =	vst v17;
	v17 =	vadd.s32 $0xC41000, v16  }
0x8c: {  	[tilespmem:$0x2A0] =	vst v17;
	v17 =	vadd.s32 $0xC42000, v16  }
0x8d: {  	[tilespmem:$0x2B0] =	vst v17;
	v17 =	vadd.s32 $0xC43000, v16  }
0x8e: {  	[tilespmem:$0x2C0] =	vst v17;
	v17 =	vadd.s32 $0xC44000, v16  }
0x8f: {  	[tilespmem:$0x2D0] =	vst v17;
	v17 =	vadd.s32 $0xC45000, v16  }
0x90: {  	[tilespmem:$0x2E0] =	vst v17;
	v17 =	vadd.s32 $0xC46000, v16  }
0x91: {  	[tilespmem:$0x2F0] =	vst v17;
	v17 =	vadd.s32 $0xC47000, v16  }
0x92: {  	[tilespmem:$0x300] =	vst v17;
	v17 =	vadd.s32 $0xC48000, v16  }
0x93: {  	[tilespmem:$0x310] =	vst v17;
	v17 =	vadd.s32 $0xC49000, v16  }
0x94: {  	[tilespmem:$0x320] =	vst v17;
	v17 =	vadd.s32 $0xC4A000, v16  }
0x95: {  	[tilespmem:$0x330] =	vst v17  }
0x96: {  	v17 =	vadd.s32 $0x186A000, v16;
	[tilespmem:s14], [sflag:$0x1] =	stream.indirect.gather [hbm4b:s1+s11], $0x1, s13, s11, $0xb8;
	[tilespmem:$0xB80] =	vst v63  }
0x97: {  	[tilespmem:$0x340] =	vst v17;
	v17 =	vadd.s32 $0x186B000, v16  }
0x98: {  	[tilespmem:$0x350] =	vst v17;
	v17 =	vadd.s32 $0x186C000, v16  }
0x99: {  	[tilespmem:$0x360] =	vst v17;
	v17 =	vadd.s32 $0x186D000, v16  }
0x9a: {  	[tilespmem:$0x370] =	vst v17;
	v17 =	vadd.s32 $0x186E000, v16  }
0x9b: {  	[tilespmem:$0x380] =	vst v17;
	v17 =	vadd.s32 $0x186F000, v16  }
0x9c: {  	[tilespmem:$0x390] =	vst v17;
	v17 =	vadd.s32 $0x1870000, v16  }
0x9d: {  	[tilespmem:$0x3A0] =	vst v17;
	v17 =	vadd.s32 $0x1871000, v16  }
0x9e: {  	[tilespmem:$0x3B0] =	vst v17;
	v17 =	vadd.s32 $0x1872000, v16  }
0x9f: {  	[tilespmem:$0x3C0] =	vst v17;
	v17 =	vadd.s32 $0x1873000, v16  }
0xa0: {  	[tilespmem:$0x3D0] =	vst v17;
	v17 =	vadd.s32 $0x1874000, v16  }
0xa1: {  	[tilespmem:$0x3E0] =	vst v17;
	v17 =	vadd.s32 $0x1875000, v16  }
0xa2: {  	[tilespmem:$0x3F0] =	vst v17;
	v17 =	vadd.s32 $0x1876000, v16  }
0xa3: {  	[tilespmem:$0x400] =	vst v17;
	v17 =	vadd.s32 $0x1877000, v16  }
0xa4: {  	[tilespmem:$0x410] =	vst v17;
	v17 =	vadd.s32 $0x1878000, v16  }
0xa5: {  	[tilespmem:$0x420] =	vst v17;
	v17 =	vadd.s32 $0x1879000, v16  }
0xa6: {  	[tilespmem:$0x430] =	vst v17;
	v17 =	vadd.s32 $0x187A000, v16  }
0xa7: {  	[tilespmem:$0x440] =	vst v17;
	v17 =	vadd.s32 $0x187B000, v16  }
0xa8: {  	[tilespmem:$0x450] =	vst v17;
	v17 =	vadd.s32 $0x187C000, v16  }
0xa9: {  	[tilespmem:$0x460] =	vst v17;
	v17 =	vadd.s32 $0x187D000, v16  }
0xaa: {  	[tilespmem:$0x470] =	vst v17;
	v17 =	vadd.s32 $0x187E000, v16  }
0xab: {  	v16 =	vadd.s32 $0x187F000, v16;
	[tilespmem:$0x480] =	vst v17  }
0xac: {  	[tilespmem:$0x490] =	vst v16  }
0xad: {  	[tilespmem:s16], [sflag:$0x1] =	stream.indirect.gather [hbm4b:s1+s11], $0x1, s15, s11, $0xb8;
	[tilespmem:$0xB80] =	vst v63  }
0xae: {  	_ =	swait.ge [sflag:s25], $0x160  }
0xaf: {  	[sflag:s25] =	ssyncset.done $0x0  }
0xb0: {  	[sflag:s25] =	ssyncadd.s32 $0xFFFFFEA0  }
0xb1: {  	[hbm4b:s5+s2] =	stream.linear.scatter [tilespmem:s12], [sflag:$0x2], $0x158, $0x38;
	[tilespmem:$0xB80] =	vst v63  }
0xb2: {  	_ =	swait.ge [sflag:s20], $0x158  }
0xb3: {  	[sflag:s20] =	ssyncset.done $0x0  }
0xb4: {  	[sflag:s20] =	ssyncadd.s32 $0xFFFFFEA8  }
0xb5: {  	_ =	swait.ge [sflag:s25], $0x160  }
0xb6: {  	[sflag:s25] =	ssyncset.done $0x0  }
0xb7: {  	[sflag:s25] =	ssyncadd.s32 $0xFFFFFEA0  }
0xb8: {  	[hbm4b:s6+s2] =	stream.linear.scatter [tilespmem:s14], [sflag:$0x2], $0x158, $0x38;
	[tilespmem:$0xB80] =	vst v63  }
0xb9: {  	_ =	swait.ge [sflag:s20], $0x158  }
0xba: {  	[sflag:s20] =	ssyncset.done $0x0  }
0xbb: {  	[sflag:s20] =	ssyncadd.s32 $0xFFFFFEA8  }
0xbc: {  	_ =	swait.ge [sflag:s25], $0x160  }
0xbd: {  	[sflag:s25] =	ssyncset.done $0x0  }
.Ltmp2:
0xbe: {  	[sflag:s25] =	ssyncadd.s32 $0xFFFFFEA0;
	(pc) =	sbr.rel @p0 .LBB2_3-.Ltmp2, $4  }
0xbf: {  	[hbm4b:s7+s2] =	stream.linear.scatter [tilespmem:s16], [sflag:$0x2], $0x158, $0x38;
	[tilespmem:$0xB80] =	vst v63  }
0xc0: {  	_ =	swait.ge [sflag:s20], $0x158  }
0xc1: {  	[sflag:s20] =	ssyncset.done $0x0  }
0xc2: {  	[sflag:s20] =	ssyncadd.s32 $0xFFFFFEA8  }
0xc3: {  	v16 =	vmov s29  }
0xc4: {  	v17 =	vadd.s32 v0, v16  }
0xc5: {  	[tilespmem:$0x980] =	vst v17;
	v17 =	vadd.s32 v1, v16  }
0xc6: {  	[tilespmem:$0x990] =	vst v17;
	v17 =	vadd.s32 v2, v16  }
0xc7: {  	[tilespmem:$0x9A0] =	vst v17;
	v17 =	vadd.s32 v3, v16  }
0xc8: {  	[tilespmem:$0x9B0] =	vst v17;
	v17 =	vadd.s32 v4, v16  }
0xc9: {  	[tilespmem:$0x9C0] =	vst v17  }
0xca: {  	v17 =	vadd.s32 v5, v16;
	[tilespmem:s19], [sflag:$0x1] =	stream.indirect.gather [hbm4b:s1+s17], $0x1, s18, s17, $0xb8;
	[tilespmem:$0xB80] =	vst v63  }
0xcb: {  	[tilespmem:$0x9D0] =	vst v17;
	v17 =	vadd.s32 v6, v16  }
0xcc: {  	[tilespmem:$0x9E0] =	vst v17;
	v17 =	vadd.s32 v7, v16  }
0xcd: {  	[tilespmem:$0x9F0] =	vst v17;
	v17 =	vadd.s32 v8, v16  }
0xce: {  	[tilespmem:$0xA00] =	vst v17;
	v17 =	vadd.s32 v9, v16  }
0xcf: {  	[tilespmem:$0xA10] =	vst v17  }
0xd0: {  	v17 =	vadd.s32 v10, v16;
	[tilespmem:s22], [sflag:$0x1] =	stream.indirect.gather [hbm4b:s1+s17], $0x1, s21, s17, $0xb8;
	[tilespmem:$0xB80] =	vst v63  }
0xd1: {  	[tilespmem:$0xA20] =	vst v17;
	v17 =	vadd.s32 v11, v16  }
0xd2: {  	[tilespmem:$0xA30] =	vst v17;
	v17 =	vadd.s32 v14, v16  }
0xd3: {  	[tilespmem:$0xA40] =	vst v17;
	v17 =	vadd.s32 v13, v16  }
0xd4: {  	v16 =	vadd.s32 v15, v16;
	[tilespmem:$0xA50] =	vst v17  }
0xd5: {  	[tilespmem:$0xA60] =	vst v16  }
0xd6: {  	[tilespmem:s28], [sflag:$0x1] =	stream.indirect.gather [hbm4b:s1+s17], $0x1, s26, s17, $0xb8;
	[tilespmem:$0xB80] =	vst v63  }
0xd7: {  	_ =	swait.ge [sflag:s25], $0x50  }
0xd8: {  	[sflag:s25] =	ssyncset.done $0x0  }
0xd9: {  	[sflag:s25] =	ssyncadd.s32 $0xFFFFFFB0  }
0xda: {  	[hbm4b:s8+s2] =	stream.linear.scatter [tilespmem:s19], [sflag:$0x2], $0x50, $0x38;
	[tilespmem:$0xB80] =	vst v63  }
0xdb: {  	_ =	swait.ge [sflag:s20], $0x50  }
0xdc: {  	[sflag:s20] =	ssyncset.done $0x0  }
0xdd: {  	[sflag:s20] =	ssyncadd.s32 $0xFFFFFFB0  }
0xde: {  	_ =	swait.ge [sflag:s25], $0x50  }
0xdf: {  	[sflag:s25] =	ssyncset.done $0x0  }
0xe0: {  	[sflag:s25] =	ssyncadd.s32 $0xFFFFFFB0  }
0xe1: {  	[hbm4b:s9+s2] =	stream.linear.scatter [tilespmem:s22], [sflag:$0x2], $0x50, $0x38;
	[tilespmem:$0xB80] =	vst v63  }
0xe2: {  	_ =	swait.ge [sflag:s20], $0x50  }
0xe3: {  	[sflag:s20] =	ssyncset.done $0x0  }
0xe4: {  	[sflag:s20] =	ssyncadd.s32 $0xFFFFFFB0  }
0xe5: {  	_ =	swait.ge [sflag:s25], $0x50  }
0xe6: {  	[sflag:s25] =	ssyncset.done $0x0  }
.Ltmp3:
0xe7: {  	[sflag:s25] =	ssyncadd.s32 $0xFFFFFFB0;
	(pc) =	sbr.rel .LBB2_3-.Ltmp3, $4  }
0xe8: {  	[hbm4b:s10+s2] =	stream.linear.scatter [tilespmem:s28], [sflag:$0x2], $0x50, $0x38;
	[tilespmem:$0xB80] =	vst v63  }
0xe9: {  	_ =	swait.ge [sflag:s20], $0x50  }
0xea: {  	[sflag:s20] =	ssyncset.done $0x0  }
0xeb: {  	[sflag:s20] =	ssyncadd.s32 $0xFFFFFFB0  }
.LBB2_4:
0xec: {  	_ =	sfence.sel $0x180000  }
0xed: {  	[bflag:$0x0] =	sbarrier.arrive $0xFFFF  }
0xee: {  	p0 =	sne.s32 s0, $0x0;
	_ =	strace $0x90000047  }
0xef: {  	s0 =	sadd.s32 @!p0 $0x100000, s3;
	[bflag:$0x2] =	sbarrier.arrive $0xFFFF  }
0xf0: {  	[sflag:s0] =	ssyncadd.tile.s32 @!p0 $0x1;
	_ =	shalt  }
.Lfunc_end2:
_tile_overlayer_lowered:
.L_overlay_start_2:
0xf1: {  	(tag) =	ssettag $0x2  }
0xf2: {  	s0 =	rddreg [dreg:$0x0];
	s2 =	stileid.u32  }
0xf3: {  	s1 =	rddreg [dreg:$0x1];
	p0 =	sne.s32 s2, $0x0  }
0xf4: {  	s3 =	rddreg [dreg:$0x2];
	[bflag:$0x3] =	sbarrier.arrive $0xFFFF;
	s2 =	simm.s32 @!p0 $0x1C02  }
0xf5: {  	[timem:s3], [sflag:s2] =	dma.local @!p0 [hbm:s0], s1  }
0xf6: {  	s0 =	simm.s32 @!p0 $0x2  }
0xf7: {  	_ =	swait.ge @!p0 [sflag:s0], s1  }
0xf8: {  	s1 =	ssub.s32 @!p0 $0x0, s1;
	[sflag:s0] =	ssyncset.done @!p0 $0x0  }
0xf9: {  	[sflag:s0] =	ssyncadd.s32 @!p0 s1  }
0xfa: {  	[bflag:$0x3] =	sbarrier.arrive $0xFFFF  }
0xfb: {  	_ =	shalt  }

</sc_bundles>
